<compile_context>
chip_gen: v7x
topology: tpu7x:2x2x1
jax: 0.10.2.dev20260603
libtpu: 0.0.44.dev20260713+nightly
codegen_flags: <defaults>
</compile_context>

<pallas_src>
import functools

import jax
import jax.numpy as jnp
from jax import lax
from jax.experimental import pallas as pl
from jax.experimental.pallas import tpu as pltpu
from jax.experimental.pallas import tpu_sc as plsc

NPOS = 1000
EMB_DIM = 64
BATCH = 4096
HIST = 200

NC = 2
NS = 16
NW = NC * NS

B = BATCH * HIST
B_PER_W = B // NW

IDXW = 128
CHUNK_ROWS = 1
CHUNK = CHUNK_ROWS * IDXW
N_CHUNKS = B_PER_W // CHUNK
ROWS_PER_W = B_PER_W // IDXW
NBUF = 8

_mesh = plsc.VectorSubcoreMesh(core_axis_name="c", subcore_axis_name="s")


@functools.partial(
    pl.kernel,
    out_type=jax.ShapeDtypeStruct((B, 2 * EMB_DIM), jnp.float32),
    mesh=_mesh,
    compiler_params=pltpu.CompilerParams(use_tc_tiling_on_sc=False),
    scratch_types=[
        pltpu.VMEM((ROWS_PER_W, IDXW), jnp.int32),
        pltpu.VMEM((NBUF, CHUNK, EMB_DIM), jnp.float32),
        pltpu.VMEM_SHARED((NPOS, EMB_DIM), jnp.float32),
    ] + [pltpu.SemaphoreType.DMA] * 17,
)
def _emb_lookup(x_hbm, w_hbm, out_hbm, idx_all, rows_v, tab_sh, *sems):
    gsem = sems[:NBUF]
    ssem = sems[NBUF:2 * NBUF]
    lsem = sems[2 * NBUF]

    wid = lax.axis_index("s") * NC + lax.axis_index("c")
    base = wid * B_PER_W
    brow = wid * ROWS_PER_W

    idx_cp = pltpu.async_copy(
        x_hbm.at[pl.ds(brow, ROWS_PER_W)], idx_all, lsem)

    @pl.when(lax.axis_index("s") == 0)
    def _():
        pltpu.sync_copy(w_hbm, tab_sh)

    idx_cp.wait()
    plsc.subcore_barrier()

    def issue_gathers(c, s):
        for j in range(CHUNK_ROWS):
            pltpu.async_copy(
                tab_sh.at[idx_all.at[c * CHUNK_ROWS + j]],
                rows_v.at[s, pl.ds(j * IDXW, IDXW)],
                gsem[s])

    def wait_gathers(c, s):
        for j in range(CHUNK_ROWS):
            pltpu.make_async_copy(
                tab_sh.at[idx_all.at[c * CHUNK_ROWS + j]],
                rows_v.at[s, pl.ds(j * IDXW, IDXW)],
                gsem[s]).wait()

    def issue_store(c, s):
        pltpu.async_copy(
            rows_v.at[s],
            out_hbm.at[pl.ds(base + c * CHUNK, CHUNK), pl.ds(0, EMB_DIM)],
            ssem[s])

    def wait_store(c, s):
        pltpu.make_async_copy(
            rows_v.at[s],
            out_hbm.at[pl.ds(base + c * CHUNK, CHUNK), pl.ds(0, EMB_DIM)],
            ssem[s]).wait()

    for s in range(NBUF):
        issue_gathers(s, s)

    @pl.loop(0, N_CHUNKS, step=NBUF)
    def _(g):
        for s in range(NBUF):
            c = g + s
            wait_gathers(c, s)
            issue_store(c, s)

            @pl.when(c + NBUF < N_CHUNKS)
            def _():
                wait_store(c, s)
                issue_gathers(c + NBUF, s)

    for s in range(NBUF):
        wait_store(N_CHUNKS - NBUF + s, s)


def kernel(x, pos_emb_weight):
    w = pos_emb_weight.at[0].set(0.0)
    x_rows = x.astype(jnp.int32).reshape(B // IDXW, IDXW)
    out = _emb_lookup(x_rows, w)
    return out[:, :EMB_DIM].reshape(BATCH, HIST, EMB_DIM)

# --- scband reference (transcript-rebuilt; emitter-appended) ---
"""Pipeline reference for scband-pos2-embedding-34875134444199 (READ-ONLY COPY).

The authoritative reference and input builder live on the scoring server;
editing this copy changes nothing except your own understanding.
"""

import jax, jax.numpy as jnp
import numpy as np

NPOS = 1000
EMB_DIM = 64
BATCH = 4096
HIST = 200

def setup_inputs(seed: int = 0) -> dict:
    key = jax.random.key(seed)
    k_idx, k_tab = jax.random.split(key)
    x = jax.random.randint(k_idx, (BATCH, HIST), 0, NPOS, dtype=jnp.int64 if jax.config.jax_enable_x64 else jnp.int32)
    pos_emb_weight = jax.random.normal(k_tab, (NPOS, EMB_DIM), dtype=jnp.float32)
    # padding_idx=0: row 0 is zeroed in nn.Embedding
    pos_emb_weight = pos_emb_weight.at[0].set(0.0)
    return {"x": x, "pos_emb_weight": pos_emb_weight}

def reference(x, pos_emb_weight):
    # nn.Embedding with padding_idx=0 -> gather from table whose row 0 is zero
    w = pos_emb_weight.at[0].set(0.0)
    emb = jnp.take(w, x, axis=0)
    # Dropout in eval mode is identity (deterministic reference)
    return emb

if __name__ == "__main__":
    import jax
    _d = setup_inputs()
    print(jax.jit(kernel)(*tuple(_d.values())))

</pallas_src>

<mosaic_0001>
#map = affine_map<(d0, d1) -> (0, 0)>
module attributes {stable_mosaic.version = 14 : i64} {
  func.func @_emb_lookup(%arg0: i32, %arg1: i32, %arg2: memref<6400x128xi32, #tpu.memory_space<hbm>>, %arg3: memref<1000x64xf32, #tpu.memory_space<hbm>>, %arg4: memref<819200x128xf32, #tpu.memory_space<hbm>>, %arg5: memref<200x128xi32, #tpu.memory_space<vmem>>, %arg6: memref<8x128x64xf32, #tpu.memory_space<vmem>>, %arg7: memref<1000x64xf32, #tpu.memory_space<vmem_shared>>, %arg8: memref<!tpu.dma_semaphore, #tpu.memory_space<semaphore_mem>>, %arg9: memref<!tpu.dma_semaphore, #tpu.memory_space<semaphore_mem>>, %arg10: memref<!tpu.dma_semaphore, #tpu.memory_space<semaphore_mem>>, %arg11: memref<!tpu.dma_semaphore, #tpu.memory_space<semaphore_mem>>, %arg12: memref<!tpu.dma_semaphore, #tpu.memory_space<semaphore_mem>>, %arg13: memref<!tpu.dma_semaphore, #tpu.memory_space<semaphore_mem>>, %arg14: memref<!tpu.dma_semaphore, #tpu.memory_space<semaphore_mem>>, %arg15: memref<!tpu.dma_semaphore, #tpu.memory_space<semaphore_mem>>, %arg16: memref<!tpu.dma_semaphore, #tpu.memory_space<semaphore_mem>>, %arg17: memref<!tpu.dma_semaphore, #tpu.memory_space<semaphore_mem>>, %arg18: memref<!tpu.dma_semaphore, #tpu.memory_space<semaphore_mem>>, %arg19: memref<!tpu.dma_semaphore, #tpu.memory_space<semaphore_mem>>, %arg20: memref<!tpu.dma_semaphore, #tpu.memory_space<semaphore_mem>>, %arg21: memref<!tpu.dma_semaphore, #tpu.memory_space<semaphore_mem>>, %arg22: memref<!tpu.dma_semaphore, #tpu.memory_space<semaphore_mem>>, %arg23: memref<!tpu.dma_semaphore, #tpu.memory_space<semaphore_mem>>, %arg24: memref<!tpu.dma_semaphore, #tpu.memory_space<semaphore_mem>>) attributes {dimension_semantics = [#tpu.dimension_semantics<core_parallel>, #tpu.dimension_semantics<subcore_parallel>], iteration_bounds = array<i64: 2, 16>, scalar_prefetch = 0 : i64, scratch_operands = 20 : i64, tpu.core_type = #tpu.core_type<sc_vector_subcore>, window_params = [{transform_indices = #map}, {transform_indices = #map}, {transform_indices = #map}]} {
    %mul3A = arith.constant 2 : i32
    %mul3A_0 = arith.muli %arg1, %mul3A : i32
    %add3A = arith.addi %mul3A_0, %arg0 : i32
    %mul3A_1 = arith.constant 25600 : i32
    %mul3A_2 = arith.muli %add3A, %mul3A_1 : i32
    %mul3A_3 = arith.constant 200 : i32
    %mul3A_4 = arith.muli %add3A, %mul3A_3 : i32
    %dma_start3A = arith.constant 0 : i32
    %dma_start3A_5 = tpu.memref_slice %arg2[%mul3A_4, %dma_start3A] : memref<6400x128xi32, #tpu.memory_space<hbm>> -> memref<200x128xi32, #tpu.memory_space<hbm>>
    %dma_start3A_6 = arith.constant 0 : i32
    %dma_start3A_7 = tpu.memref_slice %arg2[%mul3A_4, %dma_start3A_6] : memref<6400x128xi32, #tpu.memory_space<hbm>> -> memref<200x128xi32, #tpu.memory_space<hbm>>
    tpu.enqueue_dma source(%dma_start3A_7 : memref<200x128xi32, #tpu.memory_space<hbm>>) target(%arg5 : memref<200x128xi32, #tpu.memory_space<vmem>>) target_semaphore(%arg24 : memref<!tpu.dma_semaphore, #tpu.memory_space<semaphore_mem>>)
    %eq3A = arith.constant 0 : i32
    %eq3A_8 = arith.cmpi eq, %arg1, %eq3A : i32
    %convert_element_type3A = arith.extui %eq3A_8 : i1 to i32
    %cond3A = arith.constant 0 : i32
    %cond3A_9 = arith.cmpi ne, %convert_element_type3A, %cond3A : i32
    scf.if %cond3A_9 {
      "tpu.region"() ({
        %run_scoped3A = tpu.sem_alloc : memref<!tpu.dma_semaphore, #tpu.memory_space<semaphore_mem>>
        tpu.enqueue_dma source(%arg3 : memref<1000x64xf32, #tpu.memory_space<hbm>>) target(%arg7 : memref<1000x64xf32, #tpu.memory_space<vmem_shared>>) target_semaphore(%run_scoped3A : memref<!tpu.dma_semaphore, #tpu.memory_space<semaphore_mem>>)
        tpu.wait_dma2 semaphore(%run_scoped3A : memref<!tpu.dma_semaphore, #tpu.memory_space<semaphore_mem>>) src(%arg3 : memref<1000x64xf32, #tpu.memory_space<hbm>>) dst(%arg7 : memref<1000x64xf32, #tpu.memory_space<vmem_shared>>)
        tpu.yield
      }) : () -> ()
    } else {
    }
    %dma_wait3A = arith.constant 0 : i32
    %dma_wait3A_10 = tpu.memref_slice %arg2[%mul3A_4, %dma_wait3A] : memref<6400x128xi32, #tpu.memory_space<hbm>> -> memref<200x128xi32, #tpu.memory_space<hbm>>
    %dma_wait3A_11 = arith.constant 0 : i32
    %dma_wait3A_12 = tpu.memref_slice %arg2[%mul3A_4, %dma_wait3A_11] : memref<6400x128xi32, #tpu.memory_space<hbm>> -> memref<200x128xi32, #tpu.memory_space<hbm>>
    tpu.wait_dma2 semaphore(%arg24 : memref<!tpu.dma_semaphore, #tpu.memory_space<semaphore_mem>>) src(%dma_wait3A_12 : memref<200x128xi32, #tpu.memory_space<hbm>>) dst(%arg5 : memref<200x128xi32, #tpu.memory_space<vmem>>)
    %barrier3A = arith.constant 0 : index
    tpu.barrier barrier_id(%barrier3A)
    %dma_start3A_13 = arith.constant 0 : i32
    %dma_start3A_14 = arith.constant 0 : i32
    %dma_start3A_15 = arith.constant 0 : i32
    %dma_start3A_16 = arith.constant 0 : i32
    %dma_start3A_17 = tpu.memref_slice %arg6[%dma_start3A_14, %dma_start3A_15, %dma_start3A_16] : memref<8x128x64xf32, #tpu.memory_space<vmem>> -> memref<1x128x64xf32, #tpu.memory_space<vmem>>
    %dma_start3A_18 = tpu.memref_squeeze %dma_start3A_17 : memref<1x128x64xf32, #tpu.memory_space<vmem>> -> memref<128x64xf32, #tpu.memory_space<vmem>>
    %dma_start3A_19 = arith.constant 0 : i32
    %dma_start3A_20 = tpu.memref_slice %arg5[%dma_start3A_13, %dma_start3A_19] : memref<200x128xi32, #tpu.memory_space<vmem>> -> memref<1x128xi32, #tpu.memory_space<vmem>>
    %dma_start3A_21 = tpu.memref_squeeze %dma_start3A_20 : memref<1x128xi32, #tpu.memory_space<vmem>> -> memref<128xi32, #tpu.memory_space<vmem>>
    %dma_start3A_22 = arith.constant 0 : i32
    %dma_start3A_23 = arith.constant 0 : i32
    %dma_start3A_24 = tpu.memref_slice %arg7[%dma_start3A_22, %dma_start3A_23] : memref<1000x64xf32, #tpu.memory_space<vmem_shared>> -> memref<1000x64xf32, #tpu.memory_space<vmem_shared>>
    tpu.enqueue_indirect_dma source(%dma_start3A_24 : memref<1000x64xf32, #tpu.memory_space<vmem_shared>>) target(%dma_start3A_18 : memref<128x64xf32, #tpu.memory_space<vmem>>) offsets(%dma_start3A_21 : memref<128xi32, #tpu.memory_space<vmem>>) semaphore(%arg8 : memref<!tpu.dma_semaphore, #tpu.memory_space<semaphore_mem>>)
    %dma_start3A_25 = arith.constant 1 : i32
    %dma_start3A_26 = arith.constant 1 : i32
    %dma_start3A_27 = arith.constant 0 : i32
    %dma_start3A_28 = arith.constant 0 : i32
    %dma_start3A_29 = tpu.memref_slice %arg6[%dma_start3A_26, %dma_start3A_27, %dma_start3A_28] : memref<8x128x64xf32, #tpu.memory_space<vmem>> -> memref<1x128x64xf32, #tpu.memory_space<vmem>>
    %dma_start3A_30 = tpu.memref_squeeze %dma_start3A_29 : memref<1x128x64xf32, #tpu.memory_space<vmem>> -> memref<128x64xf32, #tpu.memory_space<vmem>>
    %dma_start3A_31 = arith.constant 0 : i32
    %dma_start3A_32 = tpu.memref_slice %arg5[%dma_start3A_25, %dma_start3A_31] : memref<200x128xi32, #tpu.memory_space<vmem>> -> memref<1x128xi32, #tpu.memory_space<vmem>>
    %dma_start3A_33 = tpu.memref_squeeze %dma_start3A_32 : memref<1x128xi32, #tpu.memory_space<vmem>> -> memref<128xi32, #tpu.memory_space<vmem>>
    %dma_start3A_34 = arith.constant 0 : i32
    %dma_start3A_35 = arith.constant 0 : i32
    %dma_start3A_36 = tpu.memref_slice %arg7[%dma_start3A_34, %dma_start3A_35] : memref<1000x64xf32, #tpu.memory_space<vmem_shared>> -> memref<1000x64xf32, #tpu.memory_space<vmem_shared>>
    tpu.enqueue_indirect_dma source(%dma_start3A_36 : memref<1000x64xf32, #tpu.memory_space<vmem_shared>>) target(%dma_start3A_30 : memref<128x64xf32, #tpu.memory_space<vmem>>) offsets(%dma_start3A_33 : memref<128xi32, #tpu.memory_space<vmem>>) semaphore(%arg9 : memref<!tpu.dma_semaphore, #tpu.memory_space<semaphore_mem>>)
    %dma_start3A_37 = arith.constant 2 : i32
    %dma_start3A_38 = arith.constant 2 : i32
    %dma_start3A_39 = arith.constant 0 : i32
    %dma_start3A_40 = arith.constant 0 : i32
    %dma_start3A_41 = tpu.memref_slice %arg6[%dma_start3A_38, %dma_start3A_39, %dma_start3A_40] : memref<8x128x64xf32, #tpu.memory_space<vmem>> -> memref<1x128x64xf32, #tpu.memory_space<vmem>>
    %dma_start3A_42 = tpu.memref_squeeze %dma_start3A_41 : memref<1x128x64xf32, #tpu.memory_space<vmem>> -> memref<128x64xf32, #tpu.memory_space<vmem>>
    %dma_start3A_43 = arith.constant 0 : i32
    %dma_start3A_44 = tpu.memref_slice %arg5[%dma_start3A_37, %dma_start3A_43] : memref<200x128xi32, #tpu.memory_space<vmem>> -> memref<1x128xi32, #tpu.memory_space<vmem>>
    %dma_start3A_45 = tpu.memref_squeeze %dma_start3A_44 : memref<1x128xi32, #tpu.memory_space<vmem>> -> memref<128xi32, #tpu.memory_space<vmem>>
    %dma_start3A_46 = arith.constant 0 : i32
    %dma_start3A_47 = arith.constant 0 : i32
    %dma_start3A_48 = tpu.memref_slice %arg7[%dma_start3A_46, %dma_start3A_47] : memref<1000x64xf32, #tpu.memory_space<vmem_shared>> -> memref<1000x64xf32, #tpu.memory_space<vmem_shared>>
    tpu.enqueue_indirect_dma source(%dma_start3A_48 : memref<1000x64xf32, #tpu.memory_space<vmem_shared>>) target(%dma_start3A_42 : memref<128x64xf32, #tpu.memory_space<vmem>>) offsets(%dma_start3A_45 : memref<128xi32, #tpu.memory_space<vmem>>) semaphore(%arg10 : memref<!tpu.dma_semaphore, #tpu.memory_space<semaphore_mem>>)
    %dma_start3A_49 = arith.constant 3 : i32
    %dma_start3A_50 = arith.constant 3 : i32
    %dma_start3A_51 = arith.constant 0 : i32
    %dma_start3A_52 = arith.constant 0 : i32
    %dma_start3A_53 = tpu.memref_slice %arg6[%dma_start3A_50, %dma_start3A_51, %dma_start3A_52] : memref<8x128x64xf32, #tpu.memory_space<vmem>> -> memref<1x128x64xf32, #tpu.memory_space<vmem>>
    %dma_start3A_54 = tpu.memref_squeeze %dma_start3A_53 : memref<1x128x64xf32, #tpu.memory_space<vmem>> -> memref<128x64xf32, #tpu.memory_space<vmem>>
    %dma_start3A_55 = arith.constant 0 : i32
    %dma_start3A_56 = tpu.memref_slice %arg5[%dma_start3A_49, %dma_start3A_55] : memref<200x128xi32, #tpu.memory_space<vmem>> -> memref<1x128xi32, #tpu.memory_space<vmem>>
    %dma_start3A_57 = tpu.memref_squeeze %dma_start3A_56 : memref<1x128xi32, #tpu.memory_space<vmem>> -> memref<128xi32, #tpu.memory_space<vmem>>
    %dma_start3A_58 = arith.constant 0 : i32
    %dma_start3A_59 = arith.constant 0 : i32
    %dma_start3A_60 = tpu.memref_slice %arg7[%dma_start3A_58, %dma_start3A_59] : memref<1000x64xf32, #tpu.memory_space<vmem_shared>> -> memref<1000x64xf32, #tpu.memory_space<vmem_shared>>
    tpu.enqueue_indirect_dma source(%dma_start3A_60 : memref<1000x64xf32, #tpu.memory_space<vmem_shared>>) target(%dma_start3A_54 : memref<128x64xf32, #tpu.memory_space<vmem>>) offsets(%dma_start3A_57 : memref<128xi32, #tpu.memory_space<vmem>>) semaphore(%arg11 : memref<!tpu.dma_semaphore, #tpu.memory_space<semaphore_mem>>)
    %dma_start3A_61 = arith.constant 4 : i32
    %dma_start3A_62 = arith.constant 4 : i32
    %dma_start3A_63 = arith.constant 0 : i32
    %dma_start3A_64 = arith.constant 0 : i32
    %dma_start3A_65 = tpu.memref_slice %arg6[%dma_start3A_62, %dma_start3A_63, %dma_start3A_64] : memref<8x128x64xf32, #tpu.memory_space<vmem>> -> memref<1x128x64xf32, #tpu.memory_space<vmem>>
    %dma_start3A_66 = tpu.memref_squeeze %dma_start3A_65 : memref<1x128x64xf32, #tpu.memory_space<vmem>> -> memref<128x64xf32, #tpu.memory_space<vmem>>
    %dma_start3A_67 = arith.constant 0 : i32
    %dma_start3A_68 = tpu.memref_slice %arg5[%dma_start3A_61, %dma_start3A_67] : memref<200x128xi32, #tpu.memory_space<vmem>> -> memref<1x128xi32, #tpu.memory_space<vmem>>
    %dma_start3A_69 = tpu.memref_squeeze %dma_start3A_68 : memref<1x128xi32, #tpu.memory_space<vmem>> -> memref<128xi32, #tpu.memory_space<vmem>>
    %dma_start3A_70 = arith.constant 0 : i32
    %dma_start3A_71 = arith.constant 0 : i32
    %dma_start3A_72 = tpu.memref_slice %arg7[%dma_start3A_70, %dma_start3A_71] : memref<1000x64xf32, #tpu.memory_space<vmem_shared>> -> memref<1000x64xf32, #tpu.memory_space<vmem_shared>>
    tpu.enqueue_indirect_dma source(%dma_start3A_72 : memref<1000x64xf32, #tpu.memory_space<vmem_shared>>) target(%dma_start3A_66 : memref<128x64xf32, #tpu.memory_space<vmem>>) offsets(%dma_start3A_69 : memref<128xi32, #tpu.memory_space<vmem>>) semaphore(%arg12 : memref<!tpu.dma_semaphore, #tpu.memory_space<semaphore_mem>>)
    %dma_start3A_73 = arith.constant 5 : i32
    %dma_start3A_74 = arith.constant 5 : i32
    %dma_start3A_75 = arith.constant 0 : i32
    %dma_start3A_76 = arith.constant 0 : i32
    %dma_start3A_77 = tpu.memref_slice %arg6[%dma_start3A_74, %dma_start3A_75, %dma_start3A_76] : memref<8x128x64xf32, #tpu.memory_space<vmem>> -> memref<1x128x64xf32, #tpu.memory_space<vmem>>
    %dma_start3A_78 = tpu.memref_squeeze %dma_start3A_77 : memref<1x128x64xf32, #tpu.memory_space<vmem>> -> memref<128x64xf32, #tpu.memory_space<vmem>>
    %dma_start3A_79 = arith.constant 0 : i32
    %dma_start3A_80 = tpu.memref_slice %arg5[%dma_start3A_73, %dma_start3A_79] : memref<200x128xi32, #tpu.memory_space<vmem>> -> memref<1x128xi32, #tpu.memory_space<vmem>>
    %dma_start3A_81 = tpu.memref_squeeze %dma_start3A_80 : memref<1x128xi32, #tpu.memory_space<vmem>> -> memref<128xi32, #tpu.memory_space<vmem>>
    %dma_start3A_82 = arith.constant 0 : i32
    %dma_start3A_83 = arith.constant 0 : i32
    %dma_start3A_84 = tpu.memref_slice %arg7[%dma_start3A_82, %dma_start3A_83] : memref<1000x64xf32, #tpu.memory_space<vmem_shared>> -> memref<1000x64xf32, #tpu.memory_space<vmem_shared>>
    tpu.enqueue_indirect_dma source(%dma_start3A_84 : memref<1000x64xf32, #tpu.memory_space<vmem_shared>>) target(%dma_start3A_78 : memref<128x64xf32, #tpu.memory_space<vmem>>) offsets(%dma_start3A_81 : memref<128xi32, #tpu.memory_space<vmem>>) semaphore(%arg13 : memref<!tpu.dma_semaphore, #tpu.memory_space<semaphore_mem>>)
    %dma_start3A_85 = arith.constant 6 : i32
    %dma_start3A_86 = arith.constant 6 : i32
    %dma_start3A_87 = arith.constant 0 : i32
    %dma_start3A_88 = arith.constant 0 : i32
    %dma_start3A_89 = tpu.memref_slice %arg6[%dma_start3A_86, %dma_start3A_87, %dma_start3A_88] : memref<8x128x64xf32, #tpu.memory_space<vmem>> -> memref<1x128x64xf32, #tpu.memory_space<vmem>>
    %dma_start3A_90 = tpu.memref_squeeze %dma_start3A_89 : memref<1x128x64xf32, #tpu.memory_space<vmem>> -> memref<128x64xf32, #tpu.memory_space<vmem>>
    %dma_start3A_91 = arith.constant 0 : i32
    %dma_start3A_92 = tpu.memref_slice %arg5[%dma_start3A_85, %dma_start3A_91] : memref<200x128xi32, #tpu.memory_space<vmem>> -> memref<1x128xi32, #tpu.memory_space<vmem>>
    %dma_start3A_93 = tpu.memref_squeeze %dma_start3A_92 : memref<1x128xi32, #tpu.memory_space<vmem>> -> memref<128xi32, #tpu.memory_space<vmem>>
    %dma_start3A_94 = arith.constant 0 : i32
    %dma_start3A_95 = arith.constant 0 : i32
    %dma_start3A_96 = tpu.memref_slice %arg7[%dma_start3A_94, %dma_start3A_95] : memref<1000x64xf32, #tpu.memory_space<vmem_shared>> -> memref<1000x64xf32, #tpu.memory_space<vmem_shared>>
    tpu.enqueue_indirect_dma source(%dma_start3A_96 : memref<1000x64xf32, #tpu.memory_space<vmem_shared>>) target(%dma_start3A_90 : memref<128x64xf32, #tpu.memory_space<vmem>>) offsets(%dma_start3A_93 : memref<128xi32, #tpu.memory_space<vmem>>) semaphore(%arg14 : memref<!tpu.dma_semaphore, #tpu.memory_space<semaphore_mem>>)
    %dma_start3A_97 = arith.constant 7 : i32
    %dma_start3A_98 = arith.constant 7 : i32
    %dma_start3A_99 = arith.constant 0 : i32
    %dma_start3A_100 = arith.constant 0 : i32
    %dma_start3A_101 = tpu.memref_slice %arg6[%dma_start3A_98, %dma_start3A_99, %dma_start3A_100] : memref<8x128x64xf32, #tpu.memory_space<vmem>> -> memref<1x128x64xf32, #tpu.memory_space<vmem>>
    %dma_start3A_102 = tpu.memref_squeeze %dma_start3A_101 : memref<1x128x64xf32, #tpu.memory_space<vmem>> -> memref<128x64xf32, #tpu.memory_space<vmem>>
    %dma_start3A_103 = arith.constant 0 : i32
    %dma_start3A_104 = tpu.memref_slice %arg5[%dma_start3A_97, %dma_start3A_103] : memref<200x128xi32, #tpu.memory_space<vmem>> -> memref<1x128xi32, #tpu.memory_space<vmem>>
    %dma_start3A_105 = tpu.memref_squeeze %dma_start3A_104 : memref<1x128xi32, #tpu.memory_space<vmem>> -> memref<128xi32, #tpu.memory_space<vmem>>
    %dma_start3A_106 = arith.constant 0 : i32
    %dma_start3A_107 = arith.constant 0 : i32
    %dma_start3A_108 = tpu.memref_slice %arg7[%dma_start3A_106, %dma_start3A_107] : memref<1000x64xf32, #tpu.memory_space<vmem_shared>> -> memref<1000x64xf32, #tpu.memory_space<vmem_shared>>
    tpu.enqueue_indirect_dma source(%dma_start3A_108 : memref<1000x64xf32, #tpu.memory_space<vmem_shared>>) target(%dma_start3A_102 : memref<128x64xf32, #tpu.memory_space<vmem>>) offsets(%dma_start3A_105 : memref<128xi32, #tpu.memory_space<vmem>>) semaphore(%arg15 : memref<!tpu.dma_semaphore, #tpu.memory_space<semaphore_mem>>)
    %scan3A = arith.constant 0 : i32
    %scan3A_109 = arith.constant 25 : i32
    %scan3A_110 = arith.addi %scan3A, %scan3A_109 : i32
    %scan3A_111 = arith.constant 1 : i32
    scf.for %scan3A_233 = %scan3A to %scan3A_110 step %scan3A_111  : i32 {
      %mul3A_234 = arith.constant 8 : i32
      %mul3A_235 = arith.muli %scan3A_233, %mul3A_234 : i32
      %add3A_236 = arith.constant 0 : i32
      %add3A_237 = arith.addi %add3A_236, %mul3A_235 : i32
      %add3A_238 = arith.constant 0 : i32
      %add3A_239 = arith.addi %add3A_237, %add3A_238 : i32
      %mul3A_240 = arith.constant 1 : i32
      %mul3A_241 = arith.muli %add3A_239, %mul3A_240 : i32
      %add3A_242 = arith.constant 0 : i32
      %add3A_243 = arith.addi %mul3A_241, %add3A_242 : i32
      %dma_wait3A_244 = arith.constant 0 : i32
      %dma_wait3A_245 = arith.constant 0 : i32
      %dma_wait3A_246 = arith.constant 0 : i32
      %dma_wait3A_247 = tpu.memref_slice %arg6[%dma_wait3A_244, %dma_wait3A_245, %dma_wait3A_246] : memref<8x128x64xf32, #tpu.memory_space<vmem>> -> memref<1x128x64xf32, #tpu.memory_space<vmem>>
      %dma_wait3A_248 = tpu.memref_squeeze %dma_wait3A_247 : memref<1x128x64xf32, #tpu.memory_space<vmem>> -> memref<128x64xf32, #tpu.memory_space<vmem>>
      %dma_wait3A_249 = arith.constant 0 : i32
      %dma_wait3A_250 = tpu.memref_slice %arg5[%add3A_243, %dma_wait3A_249] : memref<200x128xi32, #tpu.memory_space<vmem>> -> memref<1x128xi32, #tpu.memory_space<vmem>>
      %dma_wait3A_251 = tpu.memref_squeeze %dma_wait3A_250 : memref<1x128xi32, #tpu.memory_space<vmem>> -> memref<128xi32, #tpu.memory_space<vmem>>
      %dma_wait3A_252 = arith.constant 0 : i32
      %dma_wait3A_253 = arith.constant 0 : i32
      %dma_wait3A_254 = tpu.memref_slice %arg7[%dma_wait3A_252, %dma_wait3A_253] : memref<1000x64xf32, #tpu.memory_space<vmem_shared>> -> memref<1000x64xf32, #tpu.memory_space<vmem_shared>>
      tpu.wait_indirect_dma semaphore(%arg8 : memref<!tpu.dma_semaphore, #tpu.memory_space<semaphore_mem>>) src(%dma_wait3A_254 : memref<1000x64xf32, #tpu.memory_space<vmem_shared>>) dst(%dma_wait3A_248 : memref<128x64xf32, #tpu.memory_space<vmem>>)
      %mul3A_255 = arith.constant 128 : i32
      %mul3A_256 = arith.muli %add3A_239, %mul3A_255 : i32
      %add3A_257 = arith.addi %mul3A_2, %mul3A_256 : i32
      %dma_start3A_258 = arith.constant 0 : i32
      %dma_start3A_259 = arith.constant 0 : i32
      %dma_start3A_260 = arith.constant 0 : i32
      %dma_start3A_261 = tpu.memref_slice %arg6[%dma_start3A_258, %dma_start3A_259, %dma_start3A_260] : memref<8x128x64xf32, #tpu.memory_space<vmem>> -> memref<1x128x64xf32, #tpu.memory_space<vmem>>
      %dma_start3A_262 = tpu.memref_squeeze %dma_start3A_261 : memref<1x128x64xf32, #tpu.memory_space<vmem>> -> memref<128x64xf32, #tpu.memory_space<vmem>>
      %dma_start3A_263 = arith.constant 0 : i32
      %dma_start3A_264 = tpu.memref_slice %arg4[%add3A_257, %dma_start3A_263] : memref<819200x128xf32, #tpu.memory_space<hbm>> -> memref<128x64xf32, #tpu.memory_space<hbm>>
      %dma_start3A_265 = arith.constant 0 : i32
      %dma_start3A_266 = tpu.memref_slice %arg4[%add3A_257, %dma_start3A_265] : memref<819200x128xf32, #tpu.memory_space<hbm>> -> memref<128x64xf32, #tpu.memory_space<hbm>>
      %dma_start3A_267 = arith.constant 0 : i32
      %dma_start3A_268 = arith.constant 0 : i32
      %dma_start3A_269 = tpu.memref_slice %arg6[%dma_start3A_258, %dma_start3A_267, %dma_start3A_268] : memref<8x128x64xf32, #tpu.memory_space<vmem>> -> memref<1x128x64xf32, #tpu.memory_space<vmem>>
      %dma_start3A_270 = tpu.memref_squeeze %dma_start3A_269 : memref<1x128x64xf32, #tpu.memory_space<vmem>> -> memref<128x64xf32, #tpu.memory_space<vmem>>
      tpu.enqueue_dma source(%dma_start3A_270 : memref<128x64xf32, #tpu.memory_space<vmem>>) target(%dma_start3A_266 : memref<128x64xf32, #tpu.memory_space<hbm>>) target_semaphore(%arg16 : memref<!tpu.dma_semaphore, #tpu.memory_space<semaphore_mem>>)
      %add3A_271 = arith.constant 8 : i32
      %add3A_272 = arith.addi %add3A_239, %add3A_271 : i32
      %lt3A = arith.constant 200 : i32
      %lt3A_273 = arith.cmpi slt, %add3A_272, %lt3A : i32
      %convert_element_type3A_274 = arith.extui %lt3A_273 : i1 to i32
      %cond3A_275 = arith.constant 0 : i32
      %cond3A_276 = arith.cmpi ne, %convert_element_type3A_274, %cond3A_275 : i32
      scf.if %cond3A_276 {
        %mul3A_557 = arith.constant 128 : i32
        %mul3A_558 = arith.muli %add3A_239, %mul3A_557 : i32
        %add3A_559 = arith.addi %mul3A_2, %mul3A_558 : i32
        %dma_wait3A_560 = arith.constant 0 : i32
        %dma_wait3A_561 = arith.constant 0 : i32
        %dma_wait3A_562 = arith.constant 0 : i32
        %dma_wait3A_563 = tpu.memref_slice %arg6[%dma_wait3A_560, %dma_wait3A_561, %dma_wait3A_562] : memref<8x128x64xf32, #tpu.memory_space<vmem>> -> memref<1x128x64xf32, #tpu.memory_space<vmem>>
        %dma_wait3A_564 = tpu.memref_squeeze %dma_wait3A_563 : memref<1x128x64xf32, #tpu.memory_space<vmem>> -> memref<128x64xf32, #tpu.memory_space<vmem>>
        %dma_wait3A_565 = arith.constant 0 : i32
        %dma_wait3A_566 = tpu.memref_slice %arg4[%add3A_559, %dma_wait3A_565] : memref<819200x128xf32, #tpu.memory_space<hbm>> -> memref<128x64xf32, #tpu.memory_space<hbm>>
        %dma_wait3A_567 = arith.constant 0 : i32
        %dma_wait3A_568 = tpu.memref_slice %arg4[%add3A_559, %dma_wait3A_567] : memref<819200x128xf32, #tpu.memory_space<hbm>> -> memref<128x64xf32, #tpu.memory_space<hbm>>
        %dma_wait3A_569 = arith.constant 0 : i32
        %dma_wait3A_570 = arith.constant 0 : i32
        %dma_wait3A_571 = tpu.memref_slice %arg6[%dma_wait3A_560, %dma_wait3A_569, %dma_wait3A_570] : memref<8x128x64xf32, #tpu.memory_space<vmem>> -> memref<1x128x64xf32, #tpu.memory_space<vmem>>
        %dma_wait3A_572 = tpu.memref_squeeze %dma_wait3A_571 : memref<1x128x64xf32, #tpu.memory_space<vmem>> -> memref<128x64xf32, #tpu.memory_space<vmem>>
        tpu.wait_dma2 semaphore(%arg16 : memref<!tpu.dma_semaphore, #tpu.memory_space<semaphore_mem>>) src(%dma_wait3A_572 : memref<128x64xf32, #tpu.memory_space<vmem>>) dst(%dma_wait3A_568 : memref<128x64xf32, #tpu.memory_space<hbm>>)
        %add3A_573 = arith.constant 8 : i32
        %add3A_574 = arith.addi %add3A_239, %add3A_573 : i32
        %mul3A_575 = arith.constant 1 : i32
        %mul3A_576 = arith.muli %add3A_574, %mul3A_575 : i32
        %add3A_577 = arith.constant 0 : i32
        %add3A_578 = arith.addi %mul3A_576, %add3A_577 : i32
        %dma_start3A_579 = arith.constant 0 : i32
        %dma_start3A_580 = arith.constant 0 : i32
        %dma_start3A_581 = arith.constant 0 : i32
        %dma_start3A_582 = tpu.memref_slice %arg6[%dma_start3A_579, %dma_start3A_580, %dma_start3A_581] : memref<8x128x64xf32, #tpu.memory_space<vmem>> -> memref<1x128x64xf32, #tpu.memory_space<vmem>>
        %dma_start3A_583 = tpu.memref_squeeze %dma_start3A_582 : memref<1x128x64xf32, #tpu.memory_space<vmem>> -> memref<128x64xf32, #tpu.memory_space<vmem>>
        %dma_start3A_584 = arith.constant 0 : i32
        %dma_start3A_585 = tpu.memref_slice %arg5[%add3A_578, %dma_start3A_584] : memref<200x128xi32, #tpu.memory_space<vmem>> -> memref<1x128xi32, #tpu.memory_space<vmem>>
        %dma_start3A_586 = tpu.memref_squeeze %dma_start3A_585 : memref<1x128xi32, #tpu.memory_space<vmem>> -> memref<128xi32, #tpu.memory_space<vmem>>
        %dma_start3A_587 = arith.constant 0 : i32
        %dma_start3A_588 = arith.constant 0 : i32
        %dma_start3A_589 = tpu.memref_slice %arg7[%dma_start3A_587, %dma_start3A_588] : memref<1000x64xf32, #tpu.memory_space<vmem_shared>> -> memref<1000x64xf32, #tpu.memory_space<vmem_shared>>
        tpu.enqueue_indirect_dma source(%dma_start3A_589 : memref<1000x64xf32, #tpu.memory_space<vmem_shared>>) target(%dma_start3A_583 : memref<128x64xf32, #tpu.memory_space<vmem>>) offsets(%dma_start3A_586 : memref<128xi32, #tpu.memory_space<vmem>>) semaphore(%arg8 : memref<!tpu.dma_semaphore, #tpu.memory_space<semaphore_mem>>)
      } else {
      }
      %add3A_277 = arith.constant 1 : i32
      %add3A_278 = arith.addi %add3A_237, %add3A_277 : i32
      %mul3A_279 = arith.constant 1 : i32
      %mul3A_280 = arith.muli %add3A_278, %mul3A_279 : i32
      %add3A_281 = arith.constant 0 : i32
      %add3A_282 = arith.addi %mul3A_280, %add3A_281 : i32
      %dma_wait3A_283 = arith.constant 1 : i32
      %dma_wait3A_284 = arith.constant 0 : i32
      %dma_wait3A_285 = arith.constant 0 : i32
      %dma_wait3A_286 = tpu.memref_slice %arg6[%dma_wait3A_283, %dma_wait3A_284, %dma_wait3A_285] : memref<8x128x64xf32, #tpu.memory_space<vmem>> -> memref<1x128x64xf32, #tpu.memory_space<vmem>>
      %dma_wait3A_287 = tpu.memref_squeeze %dma_wait3A_286 : memref<1x128x64xf32, #tpu.memory_space<vmem>> -> memref<128x64xf32, #tpu.memory_space<vmem>>
      %dma_wait3A_288 = arith.constant 0 : i32
      %dma_wait3A_289 = tpu.memref_slice %arg5[%add3A_282, %dma_wait3A_288] : memref<200x128xi32, #tpu.memory_space<vmem>> -> memref<1x128xi32, #tpu.memory_space<vmem>>
      %dma_wait3A_290 = tpu.memref_squeeze %dma_wait3A_289 : memref<1x128xi32, #tpu.memory_space<vmem>> -> memref<128xi32, #tpu.memory_space<vmem>>
      %dma_wait3A_291 = arith.constant 0 : i32
      %dma_wait3A_292 = arith.constant 0 : i32
      %dma_wait3A_293 = tpu.memref_slice %arg7[%dma_wait3A_291, %dma_wait3A_292] : memref<1000x64xf32, #tpu.memory_space<vmem_shared>> -> memref<1000x64xf32, #tpu.memory_space<vmem_shared>>
      tpu.wait_indirect_dma semaphore(%arg9 : memref<!tpu.dma_semaphore, #tpu.memory_space<semaphore_mem>>) src(%dma_wait3A_293 : memref<1000x64xf32, #tpu.memory_space<vmem_shared>>) dst(%dma_wait3A_287 : memref<128x64xf32, #tpu.memory_space<vmem>>)
      %mul3A_294 = arith.constant 128 : i32
      %mul3A_295 = arith.muli %add3A_278, %mul3A_294 : i32
      %add3A_296 = arith.addi %mul3A_2, %mul3A_295 : i32
      %dma_start3A_297 = arith.constant 1 : i32
      %dma_start3A_298 = arith.constant 0 : i32
      %dma_start3A_299 = arith.constant 0 : i32
      %dma_start3A_300 = tpu.memref_slice %arg6[%dma_start3A_297, %dma_start3A_298, %dma_start3A_299] : memref<8x128x64xf32, #tpu.memory_space<vmem>> -> memref<1x128x64xf32, #tpu.memory_space<vmem>>
      %dma_start3A_301 = tpu.memref_squeeze %dma_start3A_300 : memref<1x128x64xf32, #tpu.memory_space<vmem>> -> memref<128x64xf32, #tpu.memory_space<vmem>>
      %dma_start3A_302 = arith.constant 0 : i32
      %dma_start3A_303 = tpu.memref_slice %arg4[%add3A_296, %dma_start3A_302] : memref<819200x128xf32, #tpu.memory_space<hbm>> -> memref<128x64xf32, #tpu.memory_space<hbm>>
      %dma_start3A_304 = arith.constant 0 : i32
      %dma_start3A_305 = tpu.memref_slice %arg4[%add3A_296, %dma_start3A_304] : memref<819200x128xf32, #tpu.memory_space<hbm>> -> memref<128x64xf32, #tpu.memory_space<hbm>>
      %dma_start3A_306 = arith.constant 0 : i32
      %dma_start3A_307 = arith.constant 0 : i32
      %dma_start3A_308 = tpu.memref_slice %arg6[%dma_start3A_297, %dma_start3A_306, %dma_start3A_307] : memref<8x128x64xf32, #tpu.memory_space<vmem>> -> memref<1x128x64xf32, #tpu.memory_space<vmem>>
      %dma_start3A_309 = tpu.memref_squeeze %dma_start3A_308 : memref<1x128x64xf32, #tpu.memory_space<vmem>> -> memref<128x64xf32, #tpu.memory_space<vmem>>
      tpu.enqueue_dma source(%dma_start3A_309 : memref<128x64xf32, #tpu.memory_space<vmem>>) target(%dma_start3A_305 : memref<128x64xf32, #tpu.memory_space<hbm>>) target_semaphore(%arg17 : memref<!tpu.dma_semaphore, #tpu.memory_space<semaphore_mem>>)
      %add3A_310 = arith.constant 8 : i32
      %add3A_311 = arith.addi %add3A_278, %add3A_310 : i32
      %lt3A_312 = arith.constant 200 : i32
      %lt3A_313 = arith.cmpi slt, %add3A_311, %lt3A_312 : i32
      %convert_element_type3A_314 = arith.extui %lt3A_313 : i1 to i32
      %cond3A_315 = arith.constant 0 : i32
      %cond3A_316 = arith.cmpi ne, %convert_element_type3A_314, %cond3A_315 : i32
      scf.if %cond3A_316 {
        %mul3A_557 = arith.constant 128 : i32
        %mul3A_558 = arith.muli %add3A_278, %mul3A_557 : i32
        %add3A_559 = arith.addi %mul3A_2, %mul3A_558 : i32
        %dma_wait3A_560 = arith.constant 1 : i32
        %dma_wait3A_561 = arith.constant 0 : i32
        %dma_wait3A_562 = arith.constant 0 : i32
        %dma_wait3A_563 = tpu.memref_slice %arg6[%dma_wait3A_560, %dma_wait3A_561, %dma_wait3A_562] : memref<8x128x64xf32, #tpu.memory_space<vmem>> -> memref<1x128x64xf32, #tpu.memory_space<vmem>>
        %dma_wait3A_564 = tpu.memref_squeeze %dma_wait3A_563 : memref<1x128x64xf32, #tpu.memory_space<vmem>> -> memref<128x64xf32, #tpu.memory_space<vmem>>
        %dma_wait3A_565 = arith.constant 0 : i32
        %dma_wait3A_566 = tpu.memref_slice %arg4[%add3A_559, %dma_wait3A_565] : memref<819200x128xf32, #tpu.memory_space<hbm>> -> memref<128x64xf32, #tpu.memory_space<hbm>>
        %dma_wait3A_567 = arith.constant 0 : i32
        %dma_wait3A_568 = tpu.memref_slice %arg4[%add3A_559, %dma_wait3A_567] : memref<819200x128xf32, #tpu.memory_space<hbm>> -> memref<128x64xf32, #tpu.memory_space<hbm>>
        %dma_wait3A_569 = arith.constant 0 : i32
        %dma_wait3A_570 = arith.constant 0 : i32
        %dma_wait3A_571 = tpu.memref_slice %arg6[%dma_wait3A_560, %dma_wait3A_569, %dma_wait3A_570] : memref<8x128x64xf32, #tpu.memory_space<vmem>> -> memref<1x128x64xf32, #tpu.memory_space<vmem>>
        %dma_wait3A_572 = tpu.memref_squeeze %dma_wait3A_571 : memref<1x128x64xf32, #tpu.memory_space<vmem>> -> memref<128x64xf32, #tpu.memory_space<vmem>>
        tpu.wait_dma2 semaphore(%arg17 : memref<!tpu.dma_semaphore, #tpu.memory_space<semaphore_mem>>) src(%dma_wait3A_572 : memref<128x64xf32, #tpu.memory_space<vmem>>) dst(%dma_wait3A_568 : memref<128x64xf32, #tpu.memory_space<hbm>>)
        %add3A_573 = arith.constant 8 : i32
        %add3A_574 = arith.addi %add3A_278, %add3A_573 : i32
        %mul3A_575 = arith.constant 1 : i32
        %mul3A_576 = arith.muli %add3A_574, %mul3A_575 : i32
        %add3A_577 = arith.constant 0 : i32
        %add3A_578 = arith.addi %mul3A_576, %add3A_577 : i32
        %dma_start3A_579 = arith.constant 1 : i32
        %dma_start3A_580 = arith.constant 0 : i32
        %dma_start3A_581 = arith.constant 0 : i32
        %dma_start3A_582 = tpu.memref_slice %arg6[%dma_start3A_579, %dma_start3A_580, %dma_start3A_581] : memref<8x128x64xf32, #tpu.memory_space<vmem>> -> memref<1x128x64xf32, #tpu.memory_space<vmem>>
        %dma_start3A_583 = tpu.memref_squeeze %dma_start3A_582 : memref<1x128x64xf32, #tpu.memory_space<vmem>> -> memref<128x64xf32, #tpu.memory_space<vmem>>
        %dma_start3A_584 = arith.constant 0 : i32
        %dma_start3A_585 = tpu.memref_slice %arg5[%add3A_578, %dma_start3A_584] : memref<200x128xi32, #tpu.memory_space<vmem>> -> memref<1x128xi32, #tpu.memory_space<vmem>>
        %dma_start3A_586 = tpu.memref_squeeze %dma_start3A_585 : memref<1x128xi32, #tpu.memory_space<vmem>> -> memref<128xi32, #tpu.memory_space<vmem>>
        %dma_start3A_587 = arith.constant 0 : i32
        %dma_start3A_588 = arith.constant 0 : i32
        %dma_start3A_589 = tpu.memref_slice %arg7[%dma_start3A_587, %dma_start3A_588] : memref<1000x64xf32, #tpu.memory_space<vmem_shared>> -> memref<1000x64xf32, #tpu.memory_space<vmem_shared>>
        tpu.enqueue_indirect_dma source(%dma_start3A_589 : memref<1000x64xf32, #tpu.memory_space<vmem_shared>>) target(%dma_start3A_583 : memref<128x64xf32, #tpu.memory_space<vmem>>) offsets(%dma_start3A_586 : memref<128xi32, #tpu.memory_space<vmem>>) semaphore(%arg9 : memref<!tpu.dma_semaphore, #tpu.memory_space<semaphore_mem>>)
      } else {
      }
      %add3A_317 = arith.constant 2 : i32
      %add3A_318 = arith.addi %add3A_237, %add3A_317 : i32
      %mul3A_319 = arith.constant 1 : i32
      %mul3A_320 = arith.muli %add3A_318, %mul3A_319 : i32
      %add3A_321 = arith.constant 0 : i32
      %add3A_322 = arith.addi %mul3A_320, %add3A_321 : i32
      %dma_wait3A_323 = arith.constant 2 : i32
      %dma_wait3A_324 = arith.constant 0 : i32
      %dma_wait3A_325 = arith.constant 0 : i32
      %dma_wait3A_326 = tpu.memref_slice %arg6[%dma_wait3A_323, %dma_wait3A_324, %dma_wait3A_325] : memref<8x128x64xf32, #tpu.memory_space<vmem>> -> memref<1x128x64xf32, #tpu.memory_space<vmem>>
      %dma_wait3A_327 = tpu.memref_squeeze %dma_wait3A_326 : memref<1x128x64xf32, #tpu.memory_space<vmem>> -> memref<128x64xf32, #tpu.memory_space<vmem>>
      %dma_wait3A_328 = arith.constant 0 : i32
      %dma_wait3A_329 = tpu.memref_slice %arg5[%add3A_322, %dma_wait3A_328] : memref<200x128xi32, #tpu.memory_space<vmem>> -> memref<1x128xi32, #tpu.memory_space<vmem>>
      %dma_wait3A_330 = tpu.memref_squeeze %dma_wait3A_329 : memref<1x128xi32, #tpu.memory_space<vmem>> -> memref<128xi32, #tpu.memory_space<vmem>>
      %dma_wait3A_331 = arith.constant 0 : i32
      %dma_wait3A_332 = arith.constant 0 : i32
      %dma_wait3A_333 = tpu.memref_slice %arg7[%dma_wait3A_331, %dma_wait3A_332] : memref<1000x64xf32, #tpu.memory_space<vmem_shared>> -> memref<1000x64xf32, #tpu.memory_space<vmem_shared>>
      tpu.wait_indirect_dma semaphore(%arg10 : memref<!tpu.dma_semaphore, #tpu.memory_space<semaphore_mem>>) src(%dma_wait3A_333 : memref<1000x64xf32, #tpu.memory_space<vmem_shared>>) dst(%dma_wait3A_327 : memref<128x64xf32, #tpu.memory_space<vmem>>)
      %mul3A_334 = arith.constant 128 : i32
      %mul3A_335 = arith.muli %add3A_318, %mul3A_334 : i32
      %add3A_336 = arith.addi %mul3A_2, %mul3A_335 : i32
      %dma_start3A_337 = arith.constant 2 : i32
      %dma_start3A_338 = arith.constant 0 : i32
      %dma_start3A_339 = arith.constant 0 : i32
      %dma_start3A_340 = tpu.memref_slice %arg6[%dma_start3A_337, %dma_start3A_338, %dma_start3A_339] : memref<8x128x64xf32, #tpu.memory_space<vmem>> -> memref<1x128x64xf32, #tpu.memory_space<vmem>>
      %dma_start3A_341 = tpu.memref_squeeze %dma_start3A_340 : memref<1x128x64xf32, #tpu.memory_space<vmem>> -> memref<128x64xf32, #tpu.memory_space<vmem>>
      %dma_start3A_342 = arith.constant 0 : i32
      %dma_start3A_343 = tpu.memref_slice %arg4[%add3A_336, %dma_start3A_342] : memref<819200x128xf32, #tpu.memory_space<hbm>> -> memref<128x64xf32, #tpu.memory_space<hbm>>
      %dma_start3A_344 = arith.constant 0 : i32
      %dma_start3A_345 = tpu.memref_slice %arg4[%add3A_336, %dma_start3A_344] : memref<819200x128xf32, #tpu.memory_space<hbm>> -> memref<128x64xf32, #tpu.memory_space<hbm>>
      %dma_start3A_346 = arith.constant 0 : i32
      %dma_start3A_347 = arith.constant 0 : i32
      %dma_start3A_348 = tpu.memref_slice %arg6[%dma_start3A_337, %dma_start3A_346, %dma_start3A_347] : memref<8x128x64xf32, #tpu.memory_space<vmem>> -> memref<1x128x64xf32, #tpu.memory_space<vmem>>
      %dma_start3A_349 = tpu.memref_squeeze %dma_start3A_348 : memref<1x128x64xf32, #tpu.memory_space<vmem>> -> memref<128x64xf32, #tpu.memory_space<vmem>>
      tpu.enqueue_dma source(%dma_start3A_349 : memref<128x64xf32, #tpu.memory_space<vmem>>) target(%dma_start3A_345 : memref<128x64xf32, #tpu.memory_space<hbm>>) target_semaphore(%arg18 : memref<!tpu.dma_semaphore, #tpu.memory_space<semaphore_mem>>)
      %add3A_350 = arith.constant 8 : i32
      %add3A_351 = arith.addi %add3A_318, %add3A_350 : i32
      %lt3A_352 = arith.constant 200 : i32
      %lt3A_353 = arith.cmpi slt, %add3A_351, %lt3A_352 : i32
      %convert_element_type3A_354 = arith.extui %lt3A_353 : i1 to i32
      %cond3A_355 = arith.constant 0 : i32
      %cond3A_356 = arith.cmpi ne, %convert_element_type3A_354, %cond3A_355 : i32
      scf.if %cond3A_356 {
        %mul3A_557 = arith.constant 128 : i32
        %mul3A_558 = arith.muli %add3A_318, %mul3A_557 : i32
        %add3A_559 = arith.addi %mul3A_2, %mul3A_558 : i32
        %dma_wait3A_560 = arith.constant 2 : i32
        %dma_wait3A_561 = arith.constant 0 : i32
        %dma_wait3A_562 = arith.constant 0 : i32
        %dma_wait3A_563 = tpu.memref_slice %arg6[%dma_wait3A_560, %dma_wait3A_561, %dma_wait3A_562] : memref<8x128x64xf32, #tpu.memory_space<vmem>> -> memref<1x128x64xf32, #tpu.memory_space<vmem>>
        %dma_wait3A_564 = tpu.memref_squeeze %dma_wait3A_563 : memref<1x128x64xf32, #tpu.memory_space<vmem>> -> memref<128x64xf32, #tpu.memory_space<vmem>>
        %dma_wait3A_565 = arith.constant 0 : i32
        %dma_wait3A_566 = tpu.memref_slice %arg4[%add3A_559, %dma_wait3A_565] : memref<819200x128xf32, #tpu.memory_space<hbm>> -> memref<128x64xf32, #tpu.memory_space<hbm>>
        %dma_wait3A_567 = arith.constant 0 : i32
        %dma_wait3A_568 = tpu.memref_slice %arg4[%add3A_559, %dma_wait3A_567] : memref<819200x128xf32, #tpu.memory_space<hbm>> -> memref<128x64xf32, #tpu.memory_space<hbm>>
        %dma_wait3A_569 = arith.constant 0 : i32
        %dma_wait3A_570 = arith.constant 0 : i32
        %dma_wait3A_571 = tpu.memref_slice %arg6[%dma_wait3A_560, %dma_wait3A_569, %dma_wait3A_570] : memref<8x128x64xf32, #tpu.memory_space<vmem>> -> memref<1x128x64xf32, #tpu.memory_space<vmem>>
        %dma_wait3A_572 = tpu.memref_squeeze %dma_wait3A_571 : memref<1x128x64xf32, #tpu.memory_space<vmem>> -> memref<128x64xf32, #tpu.memory_space<vmem>>
        tpu.wait_dma2 semaphore(%arg18 : memref<!tpu.dma_semaphore, #tpu.memory_space<semaphore_mem>>) src(%dma_wait3A_572 : memref<128x64xf32, #tpu.memory_space<vmem>>) dst(%dma_wait3A_568 : memref<128x64xf32, #tpu.memory_space<hbm>>)
        %add3A_573 = arith.constant 8 : i32
        %add3A_574 = arith.addi %add3A_318, %add3A_573 : i32
        %mul3A_575 = arith.constant 1 : i32
        %mul3A_576 = arith.muli %add3A_574, %mul3A_575 : i32
        %add3A_577 = arith.constant 0 : i32
        %add3A_578 = arith.addi %mul3A_576, %add3A_577 : i32
        %dma_start3A_579 = arith.constant 2 : i32
        %dma_start3A_580 = arith.constant 0 : i32
        %dma_start3A_581 = arith.constant 0 : i32
        %dma_start3A_582 = tpu.memref_slice %arg6[%dma_start3A_579, %dma_start3A_580, %dma_start3A_581] : memref<8x128x64xf32, #tpu.memory_space<vmem>> -> memref<1x128x64xf32, #tpu.memory_space<vmem>>
        %dma_start3A_583 = tpu.memref_squeeze %dma_start3A_582 : memref<1x128x64xf32, #tpu.memory_space<vmem>> -> memref<128x64xf32, #tpu.memory_space<vmem>>
        %dma_start3A_584 = arith.constant 0 : i32
        %dma_start3A_585 = tpu.memref_slice %arg5[%add3A_578, %dma_start3A_584] : memref<200x128xi32, #tpu.memory_space<vmem>> -> memref<1x128xi32, #tpu.memory_space<vmem>>
        %dma_start3A_586 = tpu.memref_squeeze %dma_start3A_585 : memref<1x128xi32, #tpu.memory_space<vmem>> -> memref<128xi32, #tpu.memory_space<vmem>>
        %dma_start3A_587 = arith.constant 0 : i32
        %dma_start3A_588 = arith.constant 0 : i32
        %dma_start3A_589 = tpu.memref_slice %arg7[%dma_start3A_587, %dma_start3A_588] : memref<1000x64xf32, #tpu.memory_space<vmem_shared>> -> memref<1000x64xf32, #tpu.memory_space<vmem_shared>>
        tpu.enqueue_indirect_dma source(%dma_start3A_589 : memref<1000x64xf32, #tpu.memory_space<vmem_shared>>) target(%dma_start3A_583 : memref<128x64xf32, #tpu.memory_space<vmem>>) offsets(%dma_start3A_586 : memref<128xi32, #tpu.memory_space<vmem>>) semaphore(%arg10 : memref<!tpu.dma_semaphore, #tpu.memory_space<semaphore_mem>>)
      } else {
      }
      %add3A_357 = arith.constant 3 : i32
      %add3A_358 = arith.addi %add3A_237, %add3A_357 : i32
      %mul3A_359 = arith.constant 1 : i32
      %mul3A_360 = arith.muli %add3A_358, %mul3A_359 : i32
      %add3A_361 = arith.constant 0 : i32
      %add3A_362 = arith.addi %mul3A_360, %add3A_361 : i32
      %dma_wait3A_363 = arith.constant 3 : i32
      %dma_wait3A_364 = arith.constant 0 : i32
      %dma_wait3A_365 = arith.constant 0 : i32
      %dma_wait3A_366 = tpu.memref_slice %arg6[%dma_wait3A_363, %dma_wait3A_364, %dma_wait3A_365] : memref<8x128x64xf32, #tpu.memory_space<vmem>> -> memref<1x128x64xf32, #tpu.memory_space<vmem>>
      %dma_wait3A_367 = tpu.memref_squeeze %dma_wait3A_366 : memref<1x128x64xf32, #tpu.memory_space<vmem>> -> memref<128x64xf32, #tpu.memory_space<vmem>>
      %dma_wait3A_368 = arith.constant 0 : i32
      %dma_wait3A_369 = tpu.memref_slice %arg5[%add3A_362, %dma_wait3A_368] : memref<200x128xi32, #tpu.memory_space<vmem>> -> memref<1x128xi32, #tpu.memory_space<vmem>>
      %dma_wait3A_370 = tpu.memref_squeeze %dma_wait3A_369 : memref<1x128xi32, #tpu.memory_space<vmem>> -> memref<128xi32, #tpu.memory_space<vmem>>
      %dma_wait3A_371 = arith.constant 0 : i32
      %dma_wait3A_372 = arith.constant 0 : i32
      %dma_wait3A_373 = tpu.memref_slice %arg7[%dma_wait3A_371, %dma_wait3A_372] : memref<1000x64xf32, #tpu.memory_space<vmem_shared>> -> memref<1000x64xf32, #tpu.memory_space<vmem_shared>>
      tpu.wait_indirect_dma semaphore(%arg11 : memref<!tpu.dma_semaphore, #tpu.memory_space<semaphore_mem>>) src(%dma_wait3A_373 : memref<1000x64xf32, #tpu.memory_space<vmem_shared>>) dst(%dma_wait3A_367 : memref<128x64xf32, #tpu.memory_space<vmem>>)
      %mul3A_374 = arith.constant 128 : i32
      %mul3A_375 = arith.muli %add3A_358, %mul3A_374 : i32
      %add3A_376 = arith.addi %mul3A_2, %mul3A_375 : i32
      %dma_start3A_377 = arith.constant 3 : i32
      %dma_start3A_378 = arith.constant 0 : i32
      %dma_start3A_379 = arith.constant 0 : i32
      %dma_start3A_380 = tpu.memref_slice %arg6[%dma_start3A_377, %dma_start3A_378, %dma_start3A_379] : memref<8x128x64xf32, #tpu.memory_space<vmem>> -> memref<1x128x64xf32, #tpu.memory_space<vmem>>
      %dma_start3A_381 = tpu.memref_squeeze %dma_start3A_380 : memref<1x128x64xf32, #tpu.memory_space<vmem>> -> memref<128x64xf32, #tpu.memory_space<vmem>>
      %dma_start3A_382 = arith.constant 0 : i32
      %dma_start3A_383 = tpu.memref_slice %arg4[%add3A_376, %dma_start3A_382] : memref<819200x128xf32, #tpu.memory_space<hbm>> -> memref<128x64xf32, #tpu.memory_space<hbm>>
      %dma_start3A_384 = arith.constant 0 : i32
      %dma_start3A_385 = tpu.memref_slice %arg4[%add3A_376, %dma_start3A_384] : memref<819200x128xf32, #tpu.memory_space<hbm>> -> memref<128x64xf32, #tpu.memory_space<hbm>>
      %dma_start3A_386 = arith.constant 0 : i32
      %dma_start3A_387 = arith.constant 0 : i32
      %dma_start3A_388 = tpu.memref_slice %arg6[%dma_start3A_377, %dma_start3A_386, %dma_start3A_387] : memref<8x128x64xf32, #tpu.memory_space<vmem>> -> memref<1x128x64xf32, #tpu.memory_space<vmem>>
      %dma_start3A_389 = tpu.memref_squeeze %dma_start3A_388 : memref<1x128x64xf32, #tpu.memory_space<vmem>> -> memref<128x64xf32, #tpu.memory_space<vmem>>
      tpu.enqueue_dma source(%dma_start3A_389 : memref<128x64xf32, #tpu.memory_space<vmem>>) target(%dma_start3A_385 : memref<128x64xf32, #tpu.memory_space<hbm>>) target_semaphore(%arg19 : memref<!tpu.dma_semaphore, #tpu.memory_space<semaphore_mem>>)
      %add3A_390 = arith.constant 8 : i32
      %add3A_391 = arith.addi %add3A_358, %add3A_390 : i32
      %lt3A_392 = arith.constant 200 : i32
      %lt3A_393 = arith.cmpi slt, %add3A_391, %lt3A_392 : i32
      %convert_element_type3A_394 = arith.extui %lt3A_393 : i1 to i32
      %cond3A_395 = arith.constant 0 : i32
      %cond3A_396 = arith.cmpi ne, %convert_element_type3A_394, %cond3A_395 : i32
      scf.if %cond3A_396 {
        %mul3A_557 = arith.constant 128 : i32
        %mul3A_558 = arith.muli %add3A_358, %mul3A_557 : i32
        %add3A_559 = arith.addi %mul3A_2, %mul3A_558 : i32
        %dma_wait3A_560 = arith.constant 3 : i32
        %dma_wait3A_561 = arith.constant 0 : i32
        %dma_wait3A_562 = arith.constant 0 : i32
        %dma_wait3A_563 = tpu.memref_slice %arg6[%dma_wait3A_560, %dma_wait3A_561, %dma_wait3A_562] : memref<8x128x64xf32, #tpu.memory_space<vmem>> -> memref<1x128x64xf32, #tpu.memory_space<vmem>>
        %dma_wait3A_564 = tpu.memref_squeeze %dma_wait3A_563 : memref<1x128x64xf32, #tpu.memory_space<vmem>> -> memref<128x64xf32, #tpu.memory_space<vmem>>
        %dma_wait3A_565 = arith.constant 0 : i32
        %dma_wait3A_566 = tpu.memref_slice %arg4[%add3A_559, %dma_wait3A_565] : memref<819200x128xf32, #tpu.memory_space<hbm>> -> memref<128x64xf32, #tpu.memory_space<hbm>>
        %dma_wait3A_567 = arith.constant 0 : i32
        %dma_wait3A_568 = tpu.memref_slice %arg4[%add3A_559, %dma_wait3A_567] : memref<819200x128xf32, #tpu.memory_space<hbm>> -> memref<128x64xf32, #tpu.memory_space<hbm>>
        %dma_wait3A_569 = arith.constant 0 : i32
        %dma_wait3A_570 = arith.constant 0 : i32
        %dma_wait3A_571 = tpu.memref_slice %arg6[%dma_wait3A_560, %dma_wait3A_569, %dma_wait3A_570] : memref<8x128x64xf32, #tpu.memory_space<vmem>> -> memref<1x128x64xf32, #tpu.memory_space<vmem>>
        %dma_wait3A_572 = tpu.memref_squeeze %dma_wait3A_571 : memref<1x128x64xf32, #tpu.memory_space<vmem>> -> memref<128x64xf32, #tpu.memory_space<vmem>>
        tpu.wait_dma2 semaphore(%arg19 : memref<!tpu.dma_semaphore, #tpu.memory_space<semaphore_mem>>) src(%dma_wait3A_572 : memref<128x64xf32, #tpu.memory_space<vmem>>) dst(%dma_wait3A_568 : memref<128x64xf32, #tpu.memory_space<hbm>>)
        %add3A_573 = arith.constant 8 : i32
        %add3A_574 = arith.addi %add3A_358, %add3A_573 : i32
        %mul3A_575 = arith.constant 1 : i32
        %mul3A_576 = arith.muli %add3A_574, %mul3A_575 : i32
        %add3A_577 = arith.constant 0 : i32
        %add3A_578 = arith.addi %mul3A_576, %add3A_577 : i32
        %dma_start3A_579 = arith.constant 3 : i32
        %dma_start3A_580 = arith.constant 0 : i32
        %dma_start3A_581 = arith.constant 0 : i32
        %dma_start3A_582 = tpu.memref_slice %arg6[%dma_start3A_579, %dma_start3A_580, %dma_start3A_581] : memref<8x128x64xf32, #tpu.memory_space<vmem>> -> memref<1x128x64xf32, #tpu.memory_space<vmem>>
        %dma_start3A_583 = tpu.memref_squeeze %dma_start3A_582 : memref<1x128x64xf32, #tpu.memory_space<vmem>> -> memref<128x64xf32, #tpu.memory_space<vmem>>
        %dma_start3A_584 = arith.constant 0 : i32
        %dma_start3A_585 = tpu.memref_slice %arg5[%add3A_578, %dma_start3A_584] : memref<200x128xi32, #tpu.memory_space<vmem>> -> memref<1x128xi32, #tpu.memory_space<vmem>>
        %dma_start3A_586 = tpu.memref_squeeze %dma_start3A_585 : memref<1x128xi32, #tpu.memory_space<vmem>> -> memref<128xi32, #tpu.memory_space<vmem>>
        %dma_start3A_587 = arith.constant 0 : i32
        %dma_start3A_588 = arith.constant 0 : i32
        %dma_start3A_589 = tpu.memref_slice %arg7[%dma_start3A_587, %dma_start3A_588] : memref<1000x64xf32, #tpu.memory_space<vmem_shared>> -> memref<1000x64xf32, #tpu.memory_space<vmem_shared>>
        tpu.enqueue_indirect_dma source(%dma_start3A_589 : memref<1000x64xf32, #tpu.memory_space<vmem_shared>>) target(%dma_start3A_583 : memref<128x64xf32, #tpu.memory_space<vmem>>) offsets(%dma_start3A_586 : memref<128xi32, #tpu.memory_space<vmem>>) semaphore(%arg11 : memref<!tpu.dma_semaphore, #tpu.memory_space<semaphore_mem>>)
      } else {
      }
      %add3A_397 = arith.constant 4 : i32
      %add3A_398 = arith.addi %add3A_237, %add3A_397 : i32
      %mul3A_399 = arith.constant 1 : i32
      %mul3A_400 = arith.muli %add3A_398, %mul3A_399 : i32
      %add3A_401 = arith.constant 0 : i32
      %add3A_402 = arith.addi %mul3A_400, %add3A_401 : i32
      %dma_wait3A_403 = arith.constant 4 : i32
      %dma_wait3A_404 = arith.constant 0 : i32
      %dma_wait3A_405 = arith.constant 0 : i32
      %dma_wait3A_406 = tpu.memref_slice %arg6[%dma_wait3A_403, %dma_wait3A_404, %dma_wait3A_405] : memref<8x128x64xf32, #tpu.memory_space<vmem>> -> memref<1x128x64xf32, #tpu.memory_space<vmem>>
      %dma_wait3A_407 = tpu.memref_squeeze %dma_wait3A_406 : memref<1x128x64xf32, #tpu.memory_space<vmem>> -> memref<128x64xf32, #tpu.memory_space<vmem>>
      %dma_wait3A_408 = arith.constant 0 : i32
      %dma_wait3A_409 = tpu.memref_slice %arg5[%add3A_402, %dma_wait3A_408] : memref<200x128xi32, #tpu.memory_space<vmem>> -> memref<1x128xi32, #tpu.memory_space<vmem>>
      %dma_wait3A_410 = tpu.memref_squeeze %dma_wait3A_409 : memref<1x128xi32, #tpu.memory_space<vmem>> -> memref<128xi32, #tpu.memory_space<vmem>>
      %dma_wait3A_411 = arith.constant 0 : i32
      %dma_wait3A_412 = arith.constant 0 : i32
      %dma_wait3A_413 = tpu.memref_slice %arg7[%dma_wait3A_411, %dma_wait3A_412] : memref<1000x64xf32, #tpu.memory_space<vmem_shared>> -> memref<1000x64xf32, #tpu.memory_space<vmem_shared>>
      tpu.wait_indirect_dma semaphore(%arg12 : memref<!tpu.dma_semaphore, #tpu.memory_space<semaphore_mem>>) src(%dma_wait3A_413 : memref<1000x64xf32, #tpu.memory_space<vmem_shared>>) dst(%dma_wait3A_407 : memref<128x64xf32, #tpu.memory_space<vmem>>)
      %mul3A_414 = arith.constant 128 : i32
      %mul3A_415 = arith.muli %add3A_398, %mul3A_414 : i32
      %add3A_416 = arith.addi %mul3A_2, %mul3A_415 : i32
      %dma_start3A_417 = arith.constant 4 : i32
      %dma_start3A_418 = arith.constant 0 : i32
      %dma_start3A_419 = arith.constant 0 : i32
      %dma_start3A_420 = tpu.memref_slice %arg6[%dma_start3A_417, %dma_start3A_418, %dma_start3A_419] : memref<8x128x64xf32, #tpu.memory_space<vmem>> -> memref<1x128x64xf32, #tpu.memory_space<vmem>>
      %dma_start3A_421 = tpu.memref_squeeze %dma_start3A_420 : memref<1x128x64xf32, #tpu.memory_space<vmem>> -> memref<128x64xf32, #tpu.memory_space<vmem>>
      %dma_start3A_422 = arith.constant 0 : i32
      %dma_start3A_423 = tpu.memref_slice %arg4[%add3A_416, %dma_start3A_422] : memref<819200x128xf32, #tpu.memory_space<hbm>> -> memref<128x64xf32, #tpu.memory_space<hbm>>
      %dma_start3A_424 = arith.constant 0 : i32
      %dma_start3A_425 = tpu.memref_slice %arg4[%add3A_416, %dma_start3A_424] : memref<819200x128xf32, #tpu.memory_space<hbm>> -> memref<128x64xf32, #tpu.memory_space<hbm>>
      %dma_start3A_426 = arith.constant 0 : i32
      %dma_start3A_427 = arith.constant 0 : i32
      %dma_start3A_428 = tpu.memref_slice %arg6[%dma_start3A_417, %dma_start3A_426, %dma_start3A_427] : memref<8x128x64xf32, #tpu.memory_space<vmem>> -> memref<1x128x64xf32, #tpu.memory_space<vmem>>
      %dma_start3A_429 = tpu.memref_squeeze %dma_start3A_428 : memref<1x128x64xf32, #tpu.memory_space<vmem>> -> memref<128x64xf32, #tpu.memory_space<vmem>>
      tpu.enqueue_dma source(%dma_start3A_429 : memref<128x64xf32, #tpu.memory_space<vmem>>) target(%dma_start3A_425 : memref<128x64xf32, #tpu.memory_space<hbm>>) target_semaphore(%arg20 : memref<!tpu.dma_semaphore, #tpu.memory_space<semaphore_mem>>)
      %add3A_430 = arith.constant 8 : i32
      %add3A_431 = arith.addi %add3A_398, %add3A_430 : i32
      %lt3A_432 = arith.constant 200 : i32
      %lt3A_433 = arith.cmpi slt, %add3A_431, %lt3A_432 : i32
      %convert_element_type3A_434 = arith.extui %lt3A_433 : i1 to i32
      %cond3A_435 = arith.constant 0 : i32
      %cond3A_436 = arith.cmpi ne, %convert_element_type3A_434, %cond3A_435 : i32
      scf.if %cond3A_436 {
        %mul3A_557 = arith.constant 128 : i32
        %mul3A_558 = arith.muli %add3A_398, %mul3A_557 : i32
        %add3A_559 = arith.addi %mul3A_2, %mul3A_558 : i32
        %dma_wait3A_560 = arith.constant 4 : i32
        %dma_wait3A_561 = arith.constant 0 : i32
        %dma_wait3A_562 = arith.constant 0 : i32
        %dma_wait3A_563 = tpu.memref_slice %arg6[%dma_wait3A_560, %dma_wait3A_561, %dma_wait3A_562] : memref<8x128x64xf32, #tpu.memory_space<vmem>> -> memref<1x128x64xf32, #tpu.memory_space<vmem>>
        %dma_wait3A_564 = tpu.memref_squeeze %dma_wait3A_563 : memref<1x128x64xf32, #tpu.memory_space<vmem>> -> memref<128x64xf32, #tpu.memory_space<vmem>>
        %dma_wait3A_565 = arith.constant 0 : i32
        %dma_wait3A_566 = tpu.memref_slice %arg4[%add3A_559, %dma_wait3A_565] : memref<819200x128xf32, #tpu.memory_space<hbm>> -> memref<128x64xf32, #tpu.memory_space<hbm>>
        %dma_wait3A_567 = arith.constant 0 : i32
        %dma_wait3A_568 = tpu.memref_slice %arg4[%add3A_559, %dma_wait3A_567] : memref<819200x128xf32, #tpu.memory_space<hbm>> -> memref<128x64xf32, #tpu.memory_space<hbm>>
        %dma_wait3A_569 = arith.constant 0 : i32
        %dma_wait3A_570 = arith.constant 0 : i32
        %dma_wait3A_571 = tpu.memref_slice %arg6[%dma_wait3A_560, %dma_wait3A_569, %dma_wait3A_570] : memref<8x128x64xf32, #tpu.memory_space<vmem>> -> memref<1x128x64xf32, #tpu.memory_space<vmem>>
        %dma_wait3A_572 = tpu.memref_squeeze %dma_wait3A_571 : memref<1x128x64xf32, #tpu.memory_space<vmem>> -> memref<128x64xf32, #tpu.memory_space<vmem>>
        tpu.wait_dma2 semaphore(%arg20 : memref<!tpu.dma_semaphore, #tpu.memory_space<semaphore_mem>>) src(%dma_wait3A_572 : memref<128x64xf32, #tpu.memory_space<vmem>>) dst(%dma_wait3A_568 : memref<128x64xf32, #tpu.memory_space<hbm>>)
        %add3A_573 = arith.constant 8 : i32
        %add3A_574 = arith.addi %add3A_398, %add3A_573 : i32
        %mul3A_575 = arith.constant 1 : i32
        %mul3A_576 = arith.muli %add3A_574, %mul3A_575 : i32
        %add3A_577 = arith.constant 0 : i32
        %add3A_578 = arith.addi %mul3A_576, %add3A_577 : i32
        %dma_start3A_579 = arith.constant 4 : i32
        %dma_start3A_580 = arith.constant 0 : i32
        %dma_start3A_581 = arith.constant 0 : i32
        %dma_start3A_582 = tpu.memref_slice %arg6[%dma_start3A_579, %dma_start3A_580, %dma_start3A_581] : memref<8x128x64xf32, #tpu.memory_space<vmem>> -> memref<1x128x64xf32, #tpu.memory_space<vmem>>
        %dma_start3A_583 = tpu.memref_squeeze %dma_start3A_582 : memref<1x128x64xf32, #tpu.memory_space<vmem>> -> memref<128x64xf32, #tpu.memory_space<vmem>>
        %dma_start3A_584 = arith.constant 0 : i32
        %dma_start3A_585 = tpu.memref_slice %arg5[%add3A_578, %dma_start3A_584] : memref<200x128xi32, #tpu.memory_space<vmem>> -> memref<1x128xi32, #tpu.memory_space<vmem>>
        %dma_start3A_586 = tpu.memref_squeeze %dma_start3A_585 : memref<1x128xi32, #tpu.memory_space<vmem>> -> memref<128xi32, #tpu.memory_space<vmem>>
        %dma_start3A_587 = arith.constant 0 : i32
        %dma_start3A_588 = arith.constant 0 : i32
        %dma_start3A_589 = tpu.memref_slice %arg7[%dma_start3A_587, %dma_start3A_588] : memref<1000x64xf32, #tpu.memory_space<vmem_shared>> -> memref<1000x64xf32, #tpu.memory_space<vmem_shared>>
        tpu.enqueue_indirect_dma source(%dma_start3A_589 : memref<1000x64xf32, #tpu.memory_space<vmem_shared>>) target(%dma_start3A_583 : memref<128x64xf32, #tpu.memory_space<vmem>>) offsets(%dma_start3A_586 : memref<128xi32, #tpu.memory_space<vmem>>) semaphore(%arg12 : memref<!tpu.dma_semaphore, #tpu.memory_space<semaphore_mem>>)
      } else {
      }
      %add3A_437 = arith.constant 5 : i32
      %add3A_438 = arith.addi %add3A_237, %add3A_437 : i32
      %mul3A_439 = arith.constant 1 : i32
      %mul3A_440 = arith.muli %add3A_438, %mul3A_439 : i32
      %add3A_441 = arith.constant 0 : i32
      %add3A_442 = arith.addi %mul3A_440, %add3A_441 : i32
      %dma_wait3A_443 = arith.constant 5 : i32
      %dma_wait3A_444 = arith.constant 0 : i32
      %dma_wait3A_445 = arith.constant 0 : i32
      %dma_wait3A_446 = tpu.memref_slice %arg6[%dma_wait3A_443, %dma_wait3A_444, %dma_wait3A_445] : memref<8x128x64xf32, #tpu.memory_space<vmem>> -> memref<1x128x64xf32, #tpu.memory_space<vmem>>
      %dma_wait3A_447 = tpu.memref_squeeze %dma_wait3A_446 : memref<1x128x64xf32, #tpu.memory_space<vmem>> -> memref<128x64xf32, #tpu.memory_space<vmem>>
      %dma_wait3A_448 = arith.constant 0 : i32
      %dma_wait3A_449 = tpu.memref_slice %arg5[%add3A_442, %dma_wait3A_448] : memref<200x128xi32, #tpu.memory_space<vmem>> -> memref<1x128xi32, #tpu.memory_space<vmem>>
      %dma_wait3A_450 = tpu.memref_squeeze %dma_wait3A_449 : memref<1x128xi32, #tpu.memory_space<vmem>> -> memref<128xi32, #tpu.memory_space<vmem>>
      %dma_wait3A_451 = arith.constant 0 : i32
      %dma_wait3A_452 = arith.constant 0 : i32
      %dma_wait3A_453 = tpu.memref_slice %arg7[%dma_wait3A_451, %dma_wait3A_452] : memref<1000x64xf32, #tpu.memory_space<vmem_shared>> -> memref<1000x64xf32, #tpu.memory_space<vmem_shared>>
      tpu.wait_indirect_dma semaphore(%arg13 : memref<!tpu.dma_semaphore, #tpu.memory_space<semaphore_mem>>) src(%dma_wait3A_453 : memref<1000x64xf32, #tpu.memory_space<vmem_shared>>) dst(%dma_wait3A_447 : memref<128x64xf32, #tpu.memory_space<vmem>>)
      %mul3A_454 = arith.constant 128 : i32
      %mul3A_455 = arith.muli %add3A_438, %mul3A_454 : i32
      %add3A_456 = arith.addi %mul3A_2, %mul3A_455 : i32
      %dma_start3A_457 = arith.constant 5 : i32
      %dma_start3A_458 = arith.constant 0 : i32
      %dma_start3A_459 = arith.constant 0 : i32
      %dma_start3A_460 = tpu.memref_slice %arg6[%dma_start3A_457, %dma_start3A_458, %dma_start3A_459] : memref<8x128x64xf32, #tpu.memory_space<vmem>> -> memref<1x128x64xf32, #tpu.memory_space<vmem>>
      %dma_start3A_461 = tpu.memref_squeeze %dma_start3A_460 : memref<1x128x64xf32, #tpu.memory_space<vmem>> -> memref<128x64xf32, #tpu.memory_space<vmem>>
      %dma_start3A_462 = arith.constant 0 : i32
      %dma_start3A_463 = tpu.memref_slice %arg4[%add3A_456, %dma_start3A_462] : memref<819200x128xf32, #tpu.memory_space<hbm>> -> memref<128x64xf32, #tpu.memory_space<hbm>>
      %dma_start3A_464 = arith.constant 0 : i32
      %dma_start3A_465 = tpu.memref_slice %arg4[%add3A_456, %dma_start3A_464] : memref<819200x128xf32, #tpu.memory_space<hbm>> -> memref<128x64xf32, #tpu.memory_space<hbm>>
      %dma_start3A_466 = arith.constant 0 : i32
      %dma_start3A_467 = arith.constant 0 : i32
      %dma_start3A_468 = tpu.memref_slice %arg6[%dma_start3A_457, %dma_start3A_466, %dma_start3A_467] : memref<8x128x64xf32, #tpu.memory_space<vmem>> -> memref<1x128x64xf32, #tpu.memory_space<vmem>>
      %dma_start3A_469 = tpu.memref_squeeze %dma_start3A_468 : memref<1x128x64xf32, #tpu.memory_space<vmem>> -> memref<128x64xf32, #tpu.memory_space<vmem>>
      tpu.enqueue_dma source(%dma_start3A_469 : memref<128x64xf32, #tpu.memory_space<vmem>>) target(%dma_start3A_465 : memref<128x64xf32, #tpu.memory_space<hbm>>) target_semaphore(%arg21 : memref<!tpu.dma_semaphore, #tpu.memory_space<semaphore_mem>>)
      %add3A_470 = arith.constant 8 : i32
      %add3A_471 = arith.addi %add3A_438, %add3A_470 : i32
      %lt3A_472 = arith.constant 200 : i32
      %lt3A_473 = arith.cmpi slt, %add3A_471, %lt3A_472 : i32
      %convert_element_type3A_474 = arith.extui %lt3A_473 : i1 to i32
      %cond3A_475 = arith.constant 0 : i32
      %cond3A_476 = arith.cmpi ne, %convert_element_type3A_474, %cond3A_475 : i32
      scf.if %cond3A_476 {
        %mul3A_557 = arith.constant 128 : i32
        %mul3A_558 = arith.muli %add3A_438, %mul3A_557 : i32
        %add3A_559 = arith.addi %mul3A_2, %mul3A_558 : i32
        %dma_wait3A_560 = arith.constant 5 : i32
        %dma_wait3A_561 = arith.constant 0 : i32
        %dma_wait3A_562 = arith.constant 0 : i32
        %dma_wait3A_563 = tpu.memref_slice %arg6[%dma_wait3A_560, %dma_wait3A_561, %dma_wait3A_562] : memref<8x128x64xf32, #tpu.memory_space<vmem>> -> memref<1x128x64xf32, #tpu.memory_space<vmem>>
        %dma_wait3A_564 = tpu.memref_squeeze %dma_wait3A_563 : memref<1x128x64xf32, #tpu.memory_space<vmem>> -> memref<128x64xf32, #tpu.memory_space<vmem>>
        %dma_wait3A_565 = arith.constant 0 : i32
        %dma_wait3A_566 = tpu.memref_slice %arg4[%add3A_559, %dma_wait3A_565] : memref<819200x128xf32, #tpu.memory_space<hbm>> -> memref<128x64xf32, #tpu.memory_space<hbm>>
        %dma_wait3A_567 = arith.constant 0 : i32
        %dma_wait3A_568 = tpu.memref_slice %arg4[%add3A_559, %dma_wait3A_567] : memref<819200x128xf32, #tpu.memory_space<hbm>> -> memref<128x64xf32, #tpu.memory_space<hbm>>
        %dma_wait3A_569 = arith.constant 0 : i32
        %dma_wait3A_570 = arith.constant 0 : i32
        %dma_wait3A_571 = tpu.memref_slice %arg6[%dma_wait3A_560, %dma_wait3A_569, %dma_wait3A_570] : memref<8x128x64xf32, #tpu.memory_space<vmem>> -> memref<1x128x64xf32, #tpu.memory_space<vmem>>
        %dma_wait3A_572 = tpu.memref_squeeze %dma_wait3A_571 : memref<1x128x64xf32, #tpu.memory_space<vmem>> -> memref<128x64xf32, #tpu.memory_space<vmem>>
        tpu.wait_dma2 semaphore(%arg21 : memref<!tpu.dma_semaphore, #tpu.memory_space<semaphore_mem>>) src(%dma_wait3A_572 : memref<128x64xf32, #tpu.memory_space<vmem>>) dst(%dma_wait3A_568 : memref<128x64xf32, #tpu.memory_space<hbm>>)
        %add3A_573 = arith.constant 8 : i32
        %add3A_574 = arith.addi %add3A_438, %add3A_573 : i32
        %mul3A_575 = arith.constant 1 : i32
        %mul3A_576 = arith.muli %add3A_574, %mul3A_575 : i32
        %add3A_577 = arith.constant 0 : i32
        %add3A_578 = arith.addi %mul3A_576, %add3A_577 : i32
        %dma_start3A_579 = arith.constant 5 : i32
        %dma_start3A_580 = arith.constant 0 : i32
        %dma_start3A_581 = arith.constant 0 : i32
        %dma_start3A_582 = tpu.memref_slice %arg6[%dma_start3A_579, %dma_start3A_580, %dma_start3A_581] : memref<8x128x64xf32, #tpu.memory_space<vmem>> -> memref<1x128x64xf32, #tpu.memory_space<vmem>>
        %dma_start3A_583 = tpu.memref_squeeze %dma_start3A_582 : memref<1x128x64xf32, #tpu.memory_space<vmem>> -> memref<128x64xf32, #tpu.memory_space<vmem>>
        %dma_start3A_584 = arith.constant 0 : i32
        %dma_start3A_585 = tpu.memref_slice %arg5[%add3A_578, %dma_start3A_584] : memref<200x128xi32, #tpu.memory_space<vmem>> -> memref<1x128xi32, #tpu.memory_space<vmem>>
        %dma_start3A_586 = tpu.memref_squeeze %dma_start3A_585 : memref<1x128xi32, #tpu.memory_space<vmem>> -> memref<128xi32, #tpu.memory_space<vmem>>
        %dma_start3A_587 = arith.constant 0 : i32
        %dma_start3A_588 = arith.constant 0 : i32
        %dma_start3A_589 = tpu.memref_slice %arg7[%dma_start3A_587, %dma_start3A_588] : memref<1000x64xf32, #tpu.memory_space<vmem_shared>> -> memref<1000x64xf32, #tpu.memory_space<vmem_shared>>
        tpu.enqueue_indirect_dma source(%dma_start3A_589 : memref<1000x64xf32, #tpu.memory_space<vmem_shared>>) target(%dma_start3A_583 : memref<128x64xf32, #tpu.memory_space<vmem>>) offsets(%dma_start3A_586 : memref<128xi32, #tpu.memory_space<vmem>>) semaphore(%arg13 : memref<!tpu.dma_semaphore, #tpu.memory_space<semaphore_mem>>)
      } else {
      }
      %add3A_477 = arith.constant 6 : i32
      %add3A_478 = arith.addi %add3A_237, %add3A_477 : i32
      %mul3A_479 = arith.constant 1 : i32
      %mul3A_480 = arith.muli %add3A_478, %mul3A_479 : i32
      %add3A_481 = arith.constant 0 : i32
      %add3A_482 = arith.addi %mul3A_480, %add3A_481 : i32
      %dma_wait3A_483 = arith.constant 6 : i32
      %dma_wait3A_484 = arith.constant 0 : i32
      %dma_wait3A_485 = arith.constant 0 : i32
      %dma_wait3A_486 = tpu.memref_slice %arg6[%dma_wait3A_483, %dma_wait3A_484, %dma_wait3A_485] : memref<8x128x64xf32, #tpu.memory_space<vmem>> -> memref<1x128x64xf32, #tpu.memory_space<vmem>>
      %dma_wait3A_487 = tpu.memref_squeeze %dma_wait3A_486 : memref<1x128x64xf32, #tpu.memory_space<vmem>> -> memref<128x64xf32, #tpu.memory_space<vmem>>
      %dma_wait3A_488 = arith.constant 0 : i32
      %dma_wait3A_489 = tpu.memref_slice %arg5[%add3A_482, %dma_wait3A_488] : memref<200x128xi32, #tpu.memory_space<vmem>> -> memref<1x128xi32, #tpu.memory_space<vmem>>
      %dma_wait3A_490 = tpu.memref_squeeze %dma_wait3A_489 : memref<1x128xi32, #tpu.memory_space<vmem>> -> memref<128xi32, #tpu.memory_space<vmem>>
      %dma_wait3A_491 = arith.constant 0 : i32
      %dma_wait3A_492 = arith.constant 0 : i32
      %dma_wait3A_493 = tpu.memref_slice %arg7[%dma_wait3A_491, %dma_wait3A_492] : memref<1000x64xf32, #tpu.memory_space<vmem_shared>> -> memref<1000x64xf32, #tpu.memory_space<vmem_shared>>
      tpu.wait_indirect_dma semaphore(%arg14 : memref<!tpu.dma_semaphore, #tpu.memory_space<semaphore_mem>>) src(%dma_wait3A_493 : memref<1000x64xf32, #tpu.memory_space<vmem_shared>>) dst(%dma_wait3A_487 : memref<128x64xf32, #tpu.memory_space<vmem>>)
      %mul3A_494 = arith.constant 128 : i32
      %mul3A_495 = arith.muli %add3A_478, %mul3A_494 : i32
      %add3A_496 = arith.addi %mul3A_2, %mul3A_495 : i32
      %dma_start3A_497 = arith.constant 6 : i32
      %dma_start3A_498 = arith.constant 0 : i32
      %dma_start3A_499 = arith.constant 0 : i32
      %dma_start3A_500 = tpu.memref_slice %arg6[%dma_start3A_497, %dma_start3A_498, %dma_start3A_499] : memref<8x128x64xf32, #tpu.memory_space<vmem>> -> memref<1x128x64xf32, #tpu.memory_space<vmem>>
      %dma_start3A_501 = tpu.memref_squeeze %dma_start3A_500 : memref<1x128x64xf32, #tpu.memory_space<vmem>> -> memref<128x64xf32, #tpu.memory_space<vmem>>
      %dma_start3A_502 = arith.constant 0 : i32
      %dma_start3A_503 = tpu.memref_slice %arg4[%add3A_496, %dma_start3A_502] : memref<819200x128xf32, #tpu.memory_space<hbm>> -> memref<128x64xf32, #tpu.memory_space<hbm>>
      %dma_start3A_504 = arith.constant 0 : i32
      %dma_start3A_505 = tpu.memref_slice %arg4[%add3A_496, %dma_start3A_504] : memref<819200x128xf32, #tpu.memory_space<hbm>> -> memref<128x64xf32, #tpu.memory_space<hbm>>
      %dma_start3A_506 = arith.constant 0 : i32
      %dma_start3A_507 = arith.constant 0 : i32
      %dma_start3A_508 = tpu.memref_slice %arg6[%dma_start3A_497, %dma_start3A_506, %dma_start3A_507] : memref<8x128x64xf32, #tpu.memory_space<vmem>> -> memref<1x128x64xf32, #tpu.memory_space<vmem>>
      %dma_start3A_509 = tpu.memref_squeeze %dma_start3A_508 : memref<1x128x64xf32, #tpu.memory_space<vmem>> -> memref<128x64xf32, #tpu.memory_space<vmem>>
      tpu.enqueue_dma source(%dma_start3A_509 : memref<128x64xf32, #tpu.memory_space<vmem>>) target(%dma_start3A_505 : memref<128x64xf32, #tpu.memory_space<hbm>>) target_semaphore(%arg22 : memref<!tpu.dma_semaphore, #tpu.memory_space<semaphore_mem>>)
      %add3A_510 = arith.constant 8 : i32
      %add3A_511 = arith.addi %add3A_478, %add3A_510 : i32
      %lt3A_512 = arith.constant 200 : i32
      %lt3A_513 = arith.cmpi slt, %add3A_511, %lt3A_512 : i32
      %convert_element_type3A_514 = arith.extui %lt3A_513 : i1 to i32
      %cond3A_515 = arith.constant 0 : i32
      %cond3A_516 = arith.cmpi ne, %convert_element_type3A_514, %cond3A_515 : i32
      scf.if %cond3A_516 {
        %mul3A_557 = arith.constant 128 : i32
        %mul3A_558 = arith.muli %add3A_478, %mul3A_557 : i32
        %add3A_559 = arith.addi %mul3A_2, %mul3A_558 : i32
        %dma_wait3A_560 = arith.constant 6 : i32
        %dma_wait3A_561 = arith.constant 0 : i32
        %dma_wait3A_562 = arith.constant 0 : i32
        %dma_wait3A_563 = tpu.memref_slice %arg6[%dma_wait3A_560, %dma_wait3A_561, %dma_wait3A_562] : memref<8x128x64xf32, #tpu.memory_space<vmem>> -> memref<1x128x64xf32, #tpu.memory_space<vmem>>
        %dma_wait3A_564 = tpu.memref_squeeze %dma_wait3A_563 : memref<1x128x64xf32, #tpu.memory_space<vmem>> -> memref<128x64xf32, #tpu.memory_space<vmem>>
        %dma_wait3A_565 = arith.constant 0 : i32
        %dma_wait3A_566 = tpu.memref_slice %arg4[%add3A_559, %dma_wait3A_565] : memref<819200x128xf32, #tpu.memory_space<hbm>> -> memref<128x64xf32, #tpu.memory_space<hbm>>
        %dma_wait3A_567 = arith.constant 0 : i32
        %dma_wait3A_568 = tpu.memref_slice %arg4[%add3A_559, %dma_wait3A_567] : memref<819200x128xf32, #tpu.memory_space<hbm>> -> memref<128x64xf32, #tpu.memory_space<hbm>>
        %dma_wait3A_569 = arith.constant 0 : i32
        %dma_wait3A_570 = arith.constant 0 : i32
        %dma_wait3A_571 = tpu.memref_slice %arg6[%dma_wait3A_560, %dma_wait3A_569, %dma_wait3A_570] : memref<8x128x64xf32, #tpu.memory_space<vmem>> -> memref<1x128x64xf32, #tpu.memory_space<vmem>>
        %dma_wait3A_572 = tpu.memref_squeeze %dma_wait3A_571 : memref<1x128x64xf32, #tpu.memory_space<vmem>> -> memref<128x64xf32, #tpu.memory_space<vmem>>
        tpu.wait_dma2 semaphore(%arg22 : memref<!tpu.dma_semaphore, #tpu.memory_space<semaphore_mem>>) src(%dma_wait3A_572 : memref<128x64xf32, #tpu.memory_space<vmem>>) dst(%dma_wait3A_568 : memref<128x64xf32, #tpu.memory_space<hbm>>)
        %add3A_573 = arith.constant 8 : i32
        %add3A_574 = arith.addi %add3A_478, %add3A_573 : i32
        %mul3A_575 = arith.constant 1 : i32
        %mul3A_576 = arith.muli %add3A_574, %mul3A_575 : i32
        %add3A_577 = arith.constant 0 : i32
        %add3A_578 = arith.addi %mul3A_576, %add3A_577 : i32
        %dma_start3A_579 = arith.constant 6 : i32
        %dma_start3A_580 = arith.constant 0 : i32
        %dma_start3A_581 = arith.constant 0 : i32
        %dma_start3A_582 = tpu.memref_slice %arg6[%dma_start3A_579, %dma_start3A_580, %dma_start3A_581] : memref<8x128x64xf32, #tpu.memory_space<vmem>> -> memref<1x128x64xf32, #tpu.memory_space<vmem>>
        %dma_start3A_583 = tpu.memref_squeeze %dma_start3A_582 : memref<1x128x64xf32, #tpu.memory_space<vmem>> -> memref<128x64xf32, #tpu.memory_space<vmem>>
        %dma_start3A_584 = arith.constant 0 : i32
        %dma_start3A_585 = tpu.memref_slice %arg5[%add3A_578, %dma_start3A_584] : memref<200x128xi32, #tpu.memory_space<vmem>> -> memref<1x128xi32, #tpu.memory_space<vmem>>
        %dma_start3A_586 = tpu.memref_squeeze %dma_start3A_585 : memref<1x128xi32, #tpu.memory_space<vmem>> -> memref<128xi32, #tpu.memory_space<vmem>>
        %dma_start3A_587 = arith.constant 0 : i32
        %dma_start3A_588 = arith.constant 0 : i32
        %dma_start3A_589 = tpu.memref_slice %arg7[%dma_start3A_587, %dma_start3A_588] : memref<1000x64xf32, #tpu.memory_space<vmem_shared>> -> memref<1000x64xf32, #tpu.memory_space<vmem_shared>>
        tpu.enqueue_indirect_dma source(%dma_start3A_589 : memref<1000x64xf32, #tpu.memory_space<vmem_shared>>) target(%dma_start3A_583 : memref<128x64xf32, #tpu.memory_space<vmem>>) offsets(%dma_start3A_586 : memref<128xi32, #tpu.memory_space<vmem>>) semaphore(%arg14 : memref<!tpu.dma_semaphore, #tpu.memory_space<semaphore_mem>>)
      } else {
      }
      %add3A_517 = arith.constant 7 : i32
      %add3A_518 = arith.addi %add3A_237, %add3A_517 : i32
      %mul3A_519 = arith.constant 1 : i32
      %mul3A_520 = arith.muli %add3A_518, %mul3A_519 : i32
      %add3A_521 = arith.constant 0 : i32
      %add3A_522 = arith.addi %mul3A_520, %add3A_521 : i32
      %dma_wait3A_523 = arith.constant 7 : i32
      %dma_wait3A_524 = arith.constant 0 : i32
      %dma_wait3A_525 = arith.constant 0 : i32
      %dma_wait3A_526 = tpu.memref_slice %arg6[%dma_wait3A_523, %dma_wait3A_524, %dma_wait3A_525] : memref<8x128x64xf32, #tpu.memory_space<vmem>> -> memref<1x128x64xf32, #tpu.memory_space<vmem>>
      %dma_wait3A_527 = tpu.memref_squeeze %dma_wait3A_526 : memref<1x128x64xf32, #tpu.memory_space<vmem>> -> memref<128x64xf32, #tpu.memory_space<vmem>>
      %dma_wait3A_528 = arith.constant 0 : i32
      %dma_wait3A_529 = tpu.memref_slice %arg5[%add3A_522, %dma_wait3A_528] : memref<200x128xi32, #tpu.memory_space<vmem>> -> memref<1x128xi32, #tpu.memory_space<vmem>>
      %dma_wait3A_530 = tpu.memref_squeeze %dma_wait3A_529 : memref<1x128xi32, #tpu.memory_space<vmem>> -> memref<128xi32, #tpu.memory_space<vmem>>
      %dma_wait3A_531 = arith.constant 0 : i32
      %dma_wait3A_532 = arith.constant 0 : i32
      %dma_wait3A_533 = tpu.memref_slice %arg7[%dma_wait3A_531, %dma_wait3A_532] : memref<1000x64xf32, #tpu.memory_space<vmem_shared>> -> memref<1000x64xf32, #tpu.memory_space<vmem_shared>>
      tpu.wait_indirect_dma semaphore(%arg15 : memref<!tpu.dma_semaphore, #tpu.memory_space<semaphore_mem>>) src(%dma_wait3A_533 : memref<1000x64xf32, #tpu.memory_space<vmem_shared>>) dst(%dma_wait3A_527 : memref<128x64xf32, #tpu.memory_space<vmem>>)
      %mul3A_534 = arith.constant 128 : i32
      %mul3A_535 = arith.muli %add3A_518, %mul3A_534 : i32
      %add3A_536 = arith.addi %mul3A_2, %mul3A_535 : i32
      %dma_start3A_537 = arith.constant 7 : i32
      %dma_start3A_538 = arith.constant 0 : i32
      %dma_start3A_539 = arith.constant 0 : i32
      %dma_start3A_540 = tpu.memref_slice %arg6[%dma_start3A_537, %dma_start3A_538, %dma_start3A_539] : memref<8x128x64xf32, #tpu.memory_space<vmem>> -> memref<1x128x64xf32, #tpu.memory_space<vmem>>
      %dma_start3A_541 = tpu.memref_squeeze %dma_start3A_540 : memref<1x128x64xf32, #tpu.memory_space<vmem>> -> memref<128x64xf32, #tpu.memory_space<vmem>>
      %dma_start3A_542 = arith.constant 0 : i32
      %dma_start3A_543 = tpu.memref_slice %arg4[%add3A_536, %dma_start3A_542] : memref<819200x128xf32, #tpu.memory_space<hbm>> -> memref<128x64xf32, #tpu.memory_space<hbm>>
      %dma_start3A_544 = arith.constant 0 : i32
      %dma_start3A_545 = tpu.memref_slice %arg4[%add3A_536, %dma_start3A_544] : memref<819200x128xf32, #tpu.memory_space<hbm>> -> memref<128x64xf32, #tpu.memory_space<hbm>>
      %dma_start3A_546 = arith.constant 0 : i32
      %dma_start3A_547 = arith.constant 0 : i32
      %dma_start3A_548 = tpu.memref_slice %arg6[%dma_start3A_537, %dma_start3A_546, %dma_start3A_547] : memref<8x128x64xf32, #tpu.memory_space<vmem>> -> memref<1x128x64xf32, #tpu.memory_space<vmem>>
      %dma_start3A_549 = tpu.memref_squeeze %dma_start3A_548 : memref<1x128x64xf32, #tpu.memory_space<vmem>> -> memref<128x64xf32, #tpu.memory_space<vmem>>
      tpu.enqueue_dma source(%dma_start3A_549 : memref<128x64xf32, #tpu.memory_space<vmem>>) target(%dma_start3A_545 : memref<128x64xf32, #tpu.memory_space<hbm>>) target_semaphore(%arg23 : memref<!tpu.dma_semaphore, #tpu.memory_space<semaphore_mem>>)
      %add3A_550 = arith.constant 8 : i32
      %add3A_551 = arith.addi %add3A_518, %add3A_550 : i32
      %lt3A_552 = arith.constant 200 : i32
      %lt3A_553 = arith.cmpi slt, %add3A_551, %lt3A_552 : i32
      %convert_element_type3A_554 = arith.extui %lt3A_553 : i1 to i32
      %cond3A_555 = arith.constant 0 : i32
      %cond3A_556 = arith.cmpi ne, %convert_element_type3A_554, %cond3A_555 : i32
      scf.if %cond3A_556 {
        %mul3A_557 = arith.constant 128 : i32
        %mul3A_558 = arith.muli %add3A_518, %mul3A_557 : i32
        %add3A_559 = arith.addi %mul3A_2, %mul3A_558 : i32
        %dma_wait3A_560 = arith.constant 7 : i32
        %dma_wait3A_561 = arith.constant 0 : i32
        %dma_wait3A_562 = arith.constant 0 : i32
        %dma_wait3A_563 = tpu.memref_slice %arg6[%dma_wait3A_560, %dma_wait3A_561, %dma_wait3A_562] : memref<8x128x64xf32, #tpu.memory_space<vmem>> -> memref<1x128x64xf32, #tpu.memory_space<vmem>>
        %dma_wait3A_564 = tpu.memref_squeeze %dma_wait3A_563 : memref<1x128x64xf32, #tpu.memory_space<vmem>> -> memref<128x64xf32, #tpu.memory_space<vmem>>
        %dma_wait3A_565 = arith.constant 0 : i32
        %dma_wait3A_566 = tpu.memref_slice %arg4[%add3A_559, %dma_wait3A_565] : memref<819200x128xf32, #tpu.memory_space<hbm>> -> memref<128x64xf32, #tpu.memory_space<hbm>>
        %dma_wait3A_567 = arith.constant 0 : i32
        %dma_wait3A_568 = tpu.memref_slice %arg4[%add3A_559, %dma_wait3A_567] : memref<819200x128xf32, #tpu.memory_space<hbm>> -> memref<128x64xf32, #tpu.memory_space<hbm>>
        %dma_wait3A_569 = arith.constant 0 : i32
        %dma_wait3A_570 = arith.constant 0 : i32
        %dma_wait3A_571 = tpu.memref_slice %arg6[%dma_wait3A_560, %dma_wait3A_569, %dma_wait3A_570] : memref<8x128x64xf32, #tpu.memory_space<vmem>> -> memref<1x128x64xf32, #tpu.memory_space<vmem>>
        %dma_wait3A_572 = tpu.memref_squeeze %dma_wait3A_571 : memref<1x128x64xf32, #tpu.memory_space<vmem>> -> memref<128x64xf32, #tpu.memory_space<vmem>>
        tpu.wait_dma2 semaphore(%arg23 : memref<!tpu.dma_semaphore, #tpu.memory_space<semaphore_mem>>) src(%dma_wait3A_572 : memref<128x64xf32, #tpu.memory_space<vmem>>) dst(%dma_wait3A_568 : memref<128x64xf32, #tpu.memory_space<hbm>>)
        %add3A_573 = arith.constant 8 : i32
        %add3A_574 = arith.addi %add3A_518, %add3A_573 : i32
        %mul3A_575 = arith.constant 1 : i32
        %mul3A_576 = arith.muli %add3A_574, %mul3A_575 : i32
        %add3A_577 = arith.constant 0 : i32
        %add3A_578 = arith.addi %mul3A_576, %add3A_577 : i32
        %dma_start3A_579 = arith.constant 7 : i32
        %dma_start3A_580 = arith.constant 0 : i32
        %dma_start3A_581 = arith.constant 0 : i32
        %dma_start3A_582 = tpu.memref_slice %arg6[%dma_start3A_579, %dma_start3A_580, %dma_start3A_581] : memref<8x128x64xf32, #tpu.memory_space<vmem>> -> memref<1x128x64xf32, #tpu.memory_space<vmem>>
        %dma_start3A_583 = tpu.memref_squeeze %dma_start3A_582 : memref<1x128x64xf32, #tpu.memory_space<vmem>> -> memref<128x64xf32, #tpu.memory_space<vmem>>
        %dma_start3A_584 = arith.constant 0 : i32
        %dma_start3A_585 = tpu.memref_slice %arg5[%add3A_578, %dma_start3A_584] : memref<200x128xi32, #tpu.memory_space<vmem>> -> memref<1x128xi32, #tpu.memory_space<vmem>>
        %dma_start3A_586 = tpu.memref_squeeze %dma_start3A_585 : memref<1x128xi32, #tpu.memory_space<vmem>> -> memref<128xi32, #tpu.memory_space<vmem>>
        %dma_start3A_587 = arith.constant 0 : i32
        %dma_start3A_588 = arith.constant 0 : i32
        %dma_start3A_589 = tpu.memref_slice %arg7[%dma_start3A_587, %dma_start3A_588] : memref<1000x64xf32, #tpu.memory_space<vmem_shared>> -> memref<1000x64xf32, #tpu.memory_space<vmem_shared>>
        tpu.enqueue_indirect_dma source(%dma_start3A_589 : memref<1000x64xf32, #tpu.memory_space<vmem_shared>>) target(%dma_start3A_583 : memref<128x64xf32, #tpu.memory_space<vmem>>) offsets(%dma_start3A_586 : memref<128xi32, #tpu.memory_space<vmem>>) semaphore(%arg15 : memref<!tpu.dma_semaphore, #tpu.memory_space<semaphore_mem>>)
      } else {
      }
    }
    %scan3A_112 = arith.constant 25 : i32
    %add3A_113 = arith.constant 24576 : i32
    %add3A_114 = arith.addi %mul3A_2, %add3A_113 : i32
    %dma_wait3A_115 = arith.constant 0 : i32
    %dma_wait3A_116 = arith.constant 0 : i32
    %dma_wait3A_117 = arith.constant 0 : i32
    %dma_wait3A_118 = tpu.memref_slice %arg6[%dma_wait3A_115, %dma_wait3A_116, %dma_wait3A_117] : memref<8x128x64xf32, #tpu.memory_space<vmem>> -> memref<1x128x64xf32, #tpu.memory_space<vmem>>
    %dma_wait3A_119 = tpu.memref_squeeze %dma_wait3A_118 : memref<1x128x64xf32, #tpu.memory_space<vmem>> -> memref<128x64xf32, #tpu.memory_space<vmem>>
    %dma_wait3A_120 = arith.constant 0 : i32
    %dma_wait3A_121 = tpu.memref_slice %arg4[%add3A_114, %dma_wait3A_120] : memref<819200x128xf32, #tpu.memory_space<hbm>> -> memref<128x64xf32, #tpu.memory_space<hbm>>
    %dma_wait3A_122 = arith.constant 0 : i32
    %dma_wait3A_123 = tpu.memref_slice %arg4[%add3A_114, %dma_wait3A_122] : memref<819200x128xf32, #tpu.memory_space<hbm>> -> memref<128x64xf32, #tpu.memory_space<hbm>>
    %dma_wait3A_124 = arith.constant 0 : i32
    %dma_wait3A_125 = arith.constant 0 : i32
    %dma_wait3A_126 = tpu.memref_slice %arg6[%dma_wait3A_115, %dma_wait3A_124, %dma_wait3A_125] : memref<8x128x64xf32, #tpu.memory_space<vmem>> -> memref<1x128x64xf32, #tpu.memory_space<vmem>>
    %dma_wait3A_127 = tpu.memref_squeeze %dma_wait3A_126 : memref<1x128x64xf32, #tpu.memory_space<vmem>> -> memref<128x64xf32, #tpu.memory_space<vmem>>
    tpu.wait_dma2 semaphore(%arg16 : memref<!tpu.dma_semaphore, #tpu.memory_space<semaphore_mem>>) src(%dma_wait3A_127 : memref<128x64xf32, #tpu.memory_space<vmem>>) dst(%dma_wait3A_123 : memref<128x64xf32, #tpu.memory_space<hbm>>)
    %add3A_128 = arith.constant 24704 : i32
    %add3A_129 = arith.addi %mul3A_2, %add3A_128 : i32
    %dma_wait3A_130 = arith.constant 1 : i32
    %dma_wait3A_131 = arith.constant 0 : i32
    %dma_wait3A_132 = arith.constant 0 : i32
    %dma_wait3A_133 = tpu.memref_slice %arg6[%dma_wait3A_130, %dma_wait3A_131, %dma_wait3A_132] : memref<8x128x64xf32, #tpu.memory_space<vmem>> -> memref<1x128x64xf32, #tpu.memory_space<vmem>>
    %dma_wait3A_134 = tpu.memref_squeeze %dma_wait3A_133 : memref<1x128x64xf32, #tpu.memory_space<vmem>> -> memref<128x64xf32, #tpu.memory_space<vmem>>
    %dma_wait3A_135 = arith.constant 0 : i32
    %dma_wait3A_136 = tpu.memref_slice %arg4[%add3A_129, %dma_wait3A_135] : memref<819200x128xf32, #tpu.memory_space<hbm>> -> memref<128x64xf32, #tpu.memory_space<hbm>>
    %dma_wait3A_137 = arith.constant 0 : i32
    %dma_wait3A_138 = tpu.memref_slice %arg4[%add3A_129, %dma_wait3A_137] : memref<819200x128xf32, #tpu.memory_space<hbm>> -> memref<128x64xf32, #tpu.memory_space<hbm>>
    %dma_wait3A_139 = arith.constant 0 : i32
    %dma_wait3A_140 = arith.constant 0 : i32
    %dma_wait3A_141 = tpu.memref_slice %arg6[%dma_wait3A_130, %dma_wait3A_139, %dma_wait3A_140] : memref<8x128x64xf32, #tpu.memory_space<vmem>> -> memref<1x128x64xf32, #tpu.memory_space<vmem>>
    %dma_wait3A_142 = tpu.memref_squeeze %dma_wait3A_141 : memref<1x128x64xf32, #tpu.memory_space<vmem>> -> memref<128x64xf32, #tpu.memory_space<vmem>>
    tpu.wait_dma2 semaphore(%arg17 : memref<!tpu.dma_semaphore, #tpu.memory_space<semaphore_mem>>) src(%dma_wait3A_142 : memref<128x64xf32, #tpu.memory_space<vmem>>) dst(%dma_wait3A_138 : memref<128x64xf32, #tpu.memory_space<hbm>>)
    %add3A_143 = arith.constant 24832 : i32
    %add3A_144 = arith.addi %mul3A_2, %add3A_143 : i32
    %dma_wait3A_145 = arith.constant 2 : i32
    %dma_wait3A_146 = arith.constant 0 : i32
    %dma_wait3A_147 = arith.constant 0 : i32
    %dma_wait3A_148 = tpu.memref_slice %arg6[%dma_wait3A_145, %dma_wait3A_146, %dma_wait3A_147] : memref<8x128x64xf32, #tpu.memory_space<vmem>> -> memref<1x128x64xf32, #tpu.memory_space<vmem>>
    %dma_wait3A_149 = tpu.memref_squeeze %dma_wait3A_148 : memref<1x128x64xf32, #tpu.memory_space<vmem>> -> memref<128x64xf32, #tpu.memory_space<vmem>>
    %dma_wait3A_150 = arith.constant 0 : i32
    %dma_wait3A_151 = tpu.memref_slice %arg4[%add3A_144, %dma_wait3A_150] : memref<819200x128xf32, #tpu.memory_space<hbm>> -> memref<128x64xf32, #tpu.memory_space<hbm>>
    %dma_wait3A_152 = arith.constant 0 : i32
    %dma_wait3A_153 = tpu.memref_slice %arg4[%add3A_144, %dma_wait3A_152] : memref<819200x128xf32, #tpu.memory_space<hbm>> -> memref<128x64xf32, #tpu.memory_space<hbm>>
    %dma_wait3A_154 = arith.constant 0 : i32
    %dma_wait3A_155 = arith.constant 0 : i32
    %dma_wait3A_156 = tpu.memref_slice %arg6[%dma_wait3A_145, %dma_wait3A_154, %dma_wait3A_155] : memref<8x128x64xf32, #tpu.memory_space<vmem>> -> memref<1x128x64xf32, #tpu.memory_space<vmem>>
    %dma_wait3A_157 = tpu.memref_squeeze %dma_wait3A_156 : memref<1x128x64xf32, #tpu.memory_space<vmem>> -> memref<128x64xf32, #tpu.memory_space<vmem>>
    tpu.wait_dma2 semaphore(%arg18 : memref<!tpu.dma_semaphore, #tpu.memory_space<semaphore_mem>>) src(%dma_wait3A_157 : memref<128x64xf32, #tpu.memory_space<vmem>>) dst(%dma_wait3A_153 : memref<128x64xf32, #tpu.memory_space<hbm>>)
    %add3A_158 = arith.constant 24960 : i32
    %add3A_159 = arith.addi %mul3A_2, %add3A_158 : i32
    %dma_wait3A_160 = arith.constant 3 : i32
    %dma_wait3A_161 = arith.constant 0 : i32
    %dma_wait3A_162 = arith.constant 0 : i32
    %dma_wait3A_163 = tpu.memref_slice %arg6[%dma_wait3A_160, %dma_wait3A_161, %dma_wait3A_162] : memref<8x128x64xf32, #tpu.memory_space<vmem>> -> memref<1x128x64xf32, #tpu.memory_space<vmem>>
    %dma_wait3A_164 = tpu.memref_squeeze %dma_wait3A_163 : memref<1x128x64xf32, #tpu.memory_space<vmem>> -> memref<128x64xf32, #tpu.memory_space<vmem>>
    %dma_wait3A_165 = arith.constant 0 : i32
    %dma_wait3A_166 = tpu.memref_slice %arg4[%add3A_159, %dma_wait3A_165] : memref<819200x128xf32, #tpu.memory_space<hbm>> -> memref<128x64xf32, #tpu.memory_space<hbm>>
    %dma_wait3A_167 = arith.constant 0 : i32
    %dma_wait3A_168 = tpu.memref_slice %arg4[%add3A_159, %dma_wait3A_167] : memref<819200x128xf32, #tpu.memory_space<hbm>> -> memref<128x64xf32, #tpu.memory_space<hbm>>
    %dma_wait3A_169 = arith.constant 0 : i32
    %dma_wait3A_170 = arith.constant 0 : i32
    %dma_wait3A_171 = tpu.memref_slice %arg6[%dma_wait3A_160, %dma_wait3A_169, %dma_wait3A_170] : memref<8x128x64xf32, #tpu.memory_space<vmem>> -> memref<1x128x64xf32, #tpu.memory_space<vmem>>
    %dma_wait3A_172 = tpu.memref_squeeze %dma_wait3A_171 : memref<1x128x64xf32, #tpu.memory_space<vmem>> -> memref<128x64xf32, #tpu.memory_space<vmem>>
    tpu.wait_dma2 semaphore(%arg19 : memref<!tpu.dma_semaphore, #tpu.memory_space<semaphore_mem>>) src(%dma_wait3A_172 : memref<128x64xf32, #tpu.memory_space<vmem>>) dst(%dma_wait3A_168 : memref<128x64xf32, #tpu.memory_space<hbm>>)
    %add3A_173 = arith.constant 25088 : i32
    %add3A_174 = arith.addi %mul3A_2, %add3A_173 : i32
    %dma_wait3A_175 = arith.constant 4 : i32
    %dma_wait3A_176 = arith.constant 0 : i32
    %dma_wait3A_177 = arith.constant 0 : i32
    %dma_wait3A_178 = tpu.memref_slice %arg6[%dma_wait3A_175, %dma_wait3A_176, %dma_wait3A_177] : memref<8x128x64xf32, #tpu.memory_space<vmem>> -> memref<1x128x64xf32, #tpu.memory_space<vmem>>
    %dma_wait3A_179 = tpu.memref_squeeze %dma_wait3A_178 : memref<1x128x64xf32, #tpu.memory_space<vmem>> -> memref<128x64xf32, #tpu.memory_space<vmem>>
    %dma_wait3A_180 = arith.constant 0 : i32
    %dma_wait3A_181 = tpu.memref_slice %arg4[%add3A_174, %dma_wait3A_180] : memref<819200x128xf32, #tpu.memory_space<hbm>> -> memref<128x64xf32, #tpu.memory_space<hbm>>
    %dma_wait3A_182 = arith.constant 0 : i32
    %dma_wait3A_183 = tpu.memref_slice %arg4[%add3A_174, %dma_wait3A_182] : memref<819200x128xf32, #tpu.memory_space<hbm>> -> memref<128x64xf32, #tpu.memory_space<hbm>>
    %dma_wait3A_184 = arith.constant 0 : i32
    %dma_wait3A_185 = arith.constant 0 : i32
    %dma_wait3A_186 = tpu.memref_slice %arg6[%dma_wait3A_175, %dma_wait3A_184, %dma_wait3A_185] : memref<8x128x64xf32, #tpu.memory_space<vmem>> -> memref<1x128x64xf32, #tpu.memory_space<vmem>>
    %dma_wait3A_187 = tpu.memref_squeeze %dma_wait3A_186 : memref<1x128x64xf32, #tpu.memory_space<vmem>> -> memref<128x64xf32, #tpu.memory_space<vmem>>
    tpu.wait_dma2 semaphore(%arg20 : memref<!tpu.dma_semaphore, #tpu.memory_space<semaphore_mem>>) src(%dma_wait3A_187 : memref<128x64xf32, #tpu.memory_space<vmem>>) dst(%dma_wait3A_183 : memref<128x64xf32, #tpu.memory_space<hbm>>)
    %add3A_188 = arith.constant 25216 : i32
    %add3A_189 = arith.addi %mul3A_2, %add3A_188 : i32
    %dma_wait3A_190 = arith.constant 5 : i32
    %dma_wait3A_191 = arith.constant 0 : i32
    %dma_wait3A_192 = arith.constant 0 : i32
    %dma_wait3A_193 = tpu.memref_slice %arg6[%dma_wait3A_190, %dma_wait3A_191, %dma_wait3A_192] : memref<8x128x64xf32, #tpu.memory_space<vmem>> -> memref<1x128x64xf32, #tpu.memory_space<vmem>>
    %dma_wait3A_194 = tpu.memref_squeeze %dma_wait3A_193 : memref<1x128x64xf32, #tpu.memory_space<vmem>> -> memref<128x64xf32, #tpu.memory_space<vmem>>
    %dma_wait3A_195 = arith.constant 0 : i32
    %dma_wait3A_196 = tpu.memref_slice %arg4[%add3A_189, %dma_wait3A_195] : memref<819200x128xf32, #tpu.memory_space<hbm>> -> memref<128x64xf32, #tpu.memory_space<hbm>>
    %dma_wait3A_197 = arith.constant 0 : i32
    %dma_wait3A_198 = tpu.memref_slice %arg4[%add3A_189, %dma_wait3A_197] : memref<819200x128xf32, #tpu.memory_space<hbm>> -> memref<128x64xf32, #tpu.memory_space<hbm>>
    %dma_wait3A_199 = arith.constant 0 : i32
    %dma_wait3A_200 = arith.constant 0 : i32
    %dma_wait3A_201 = tpu.memref_slice %arg6[%dma_wait3A_190, %dma_wait3A_199, %dma_wait3A_200] : memref<8x128x64xf32, #tpu.memory_space<vmem>> -> memref<1x128x64xf32, #tpu.memory_space<vmem>>
    %dma_wait3A_202 = tpu.memref_squeeze %dma_wait3A_201 : memref<1x128x64xf32, #tpu.memory_space<vmem>> -> memref<128x64xf32, #tpu.memory_space<vmem>>
    tpu.wait_dma2 semaphore(%arg21 : memref<!tpu.dma_semaphore, #tpu.memory_space<semaphore_mem>>) src(%dma_wait3A_202 : memref<128x64xf32, #tpu.memory_space<vmem>>) dst(%dma_wait3A_198 : memref<128x64xf32, #tpu.memory_space<hbm>>)
    %add3A_203 = arith.constant 25344 : i32
    %add3A_204 = arith.addi %mul3A_2, %add3A_203 : i32
    %dma_wait3A_205 = arith.constant 6 : i32
    %dma_wait3A_206 = arith.constant 0 : i32
    %dma_wait3A_207 = arith.constant 0 : i32
    %dma_wait3A_208 = tpu.memref_slice %arg6[%dma_wait3A_205, %dma_wait3A_206, %dma_wait3A_207] : memref<8x128x64xf32, #tpu.memory_space<vmem>> -> memref<1x128x64xf32, #tpu.memory_space<vmem>>
    %dma_wait3A_209 = tpu.memref_squeeze %dma_wait3A_208 : memref<1x128x64xf32, #tpu.memory_space<vmem>> -> memref<128x64xf32, #tpu.memory_space<vmem>>
    %dma_wait3A_210 = arith.constant 0 : i32
    %dma_wait3A_211 = tpu.memref_slice %arg4[%add3A_204, %dma_wait3A_210] : memref<819200x128xf32, #tpu.memory_space<hbm>> -> memref<128x64xf32, #tpu.memory_space<hbm>>
    %dma_wait3A_212 = arith.constant 0 : i32
    %dma_wait3A_213 = tpu.memref_slice %arg4[%add3A_204, %dma_wait3A_212] : memref<819200x128xf32, #tpu.memory_space<hbm>> -> memref<128x64xf32, #tpu.memory_space<hbm>>
    %dma_wait3A_214 = arith.constant 0 : i32
    %dma_wait3A_215 = arith.constant 0 : i32
    %dma_wait3A_216 = tpu.memref_slice %arg6[%dma_wait3A_205, %dma_wait3A_214, %dma_wait3A_215] : memref<8x128x64xf32, #tpu.memory_space<vmem>> -> memref<1x128x64xf32, #tpu.memory_space<vmem>>
    %dma_wait3A_217 = tpu.memref_squeeze %dma_wait3A_216 : memref<1x128x64xf32, #tpu.memory_space<vmem>> -> memref<128x64xf32, #tpu.memory_space<vmem>>
    tpu.wait_dma2 semaphore(%arg22 : memref<!tpu.dma_semaphore, #tpu.memory_space<semaphore_mem>>) src(%dma_wait3A_217 : memref<128x64xf32, #tpu.memory_space<vmem>>) dst(%dma_wait3A_213 : memref<128x64xf32, #tpu.memory_space<hbm>>)
    %add3A_218 = arith.constant 25472 : i32
    %add3A_219 = arith.addi %mul3A_2, %add3A_218 : i32
    %dma_wait3A_220 = arith.constant 7 : i32
    %dma_wait3A_221 = arith.constant 0 : i32
    %dma_wait3A_222 = arith.constant 0 : i32
    %dma_wait3A_223 = tpu.memref_slice %arg6[%dma_wait3A_220, %dma_wait3A_221, %dma_wait3A_222] : memref<8x128x64xf32, #tpu.memory_space<vmem>> -> memref<1x128x64xf32, #tpu.memory_space<vmem>>
    %dma_wait3A_224 = tpu.memref_squeeze %dma_wait3A_223 : memref<1x128x64xf32, #tpu.memory_space<vmem>> -> memref<128x64xf32, #tpu.memory_space<vmem>>
    %dma_wait3A_225 = arith.constant 0 : i32
    %dma_wait3A_226 = tpu.memref_slice %arg4[%add3A_219, %dma_wait3A_225] : memref<819200x128xf32, #tpu.memory_space<hbm>> -> memref<128x64xf32, #tpu.memory_space<hbm>>
    %dma_wait3A_227 = arith.constant 0 : i32
    %dma_wait3A_228 = tpu.memref_slice %arg4[%add3A_219, %dma_wait3A_227] : memref<819200x128xf32, #tpu.memory_space<hbm>> -> memref<128x64xf32, #tpu.memory_space<hbm>>
    %dma_wait3A_229 = arith.constant 0 : i32
    %dma_wait3A_230 = arith.constant 0 : i32
    %dma_wait3A_231 = tpu.memref_slice %arg6[%dma_wait3A_220, %dma_wait3A_229, %dma_wait3A_230] : memref<8x128x64xf32, #tpu.memory_space<vmem>> -> memref<1x128x64xf32, #tpu.memory_space<vmem>>
    %dma_wait3A_232 = tpu.memref_squeeze %dma_wait3A_231 : memref<1x128x64xf32, #tpu.memory_space<vmem>> -> memref<128x64xf32, #tpu.memory_space<vmem>>
    tpu.wait_dma2 semaphore(%arg23 : memref<!tpu.dma_semaphore, #tpu.memory_space<semaphore_mem>>) src(%dma_wait3A_232 : memref<128x64xf32, #tpu.memory_space<vmem>>) dst(%dma_wait3A_228 : memref<128x64xf32, #tpu.memory_space<hbm>>)
    return
  }
}

</mosaic_0001>

<sc_bundles>
// kernel: kernel.3.cloned.1.call-start
scs
__scs_entry_jumppad:
0x0: {  	(pc) =	sbr.rel $0x88, $3  }
0x1: {  	(tag) =	ssettag $0x0;
	lr =	simm.s32 $0x1  }
0x2: {  	[smem:$0x3F9F] =	sst lr;
	_ =	strace $0xD0000000  }
0x3: {  	_ = 	snop  }
0x4: {  	_ = 	snop  }
0x5: {  	_ = 	snop  }
0x6: {  	_ = 	snop  }
0x7: {  	_ = 	snop  }
__scs_overlays_trampoline_lowered:
0x8: {  	[smem:$0x3FAE] =	sst s0  }
0x9: {  	[smem:$0x3FAF] =	sst s1  }
0xa: {  	[smem:$0x3FB0] =	sst s2  }
0xb: {  	[smem:$0x3FB1] =	sst s3  }
0xc: {  	[smem:$0x3FB2] =	sst s4  }
0xd: {  	[smem:$0x3FB3] =	sst s5  }
0xe: {  	[smem:$0x3FB4] =	sst s6  }
0xf: {  	[smem:$0x3FB5] =	sst s7  }
0x10: {  	[smem:$0x3FB6] =	sst s8  }
0x11: {  	[smem:$0x3FB7] =	sst s9;
	s0 =	simm.s32 @!p0 $0x0  }
0x12: {  	s1 =	sld [smem:$0x3F9D];
	s0 =	simm.s32 @p0 $0x1  }
0x13: {  	[smem:$0x3FB8] =	sst s0;
	s0 =	simm.s32 @!p1 $0x0  }
0x14: {  	s2 =	sld [smem:$0x3F9C];
	s0 =	simm.s32 @p1 $0x1  }
0x15: {  	[smem:$0x3FB9] =	sst s0;
	s0 =	simm.s32 @!p2 $0x0  }
0x16: {  	s3 =	sld [smem:$0x3FDB];
	s0 =	simm.s32 @p2 $0x1  }
0x17: {  	s4 =	simm.s32 $0x1BF5;
	[smem:$0x3FBB] =	sst s0  }
0x18: {  	s0 =	sld [smem:$0x3F9E];
	_ =	swait.ge [sflag:s4], $0x0  }
0x19: {  	s7 =	sld [smem:$0x3F9F]  }
0x1a: {  	s8 =	sadd.s32 $0xFFFFE003, lr  }
0x1b: {  	s9 =	sadd.s32 $0xFFFFFEF7, lr;
	s5 =	simm.s32 $0xFFFFFFFF;
	p2 =	slt.u32 s8, $0xFFFFF086  }
0x1c: {  	p1 =	slt.u32 s9, $0xF7A;
	s5 =	simm.s32 @!p2 $0x0  }
0x1d: {  	s5 =	simm.s32 @p1 $0x1;
	p0 =	seq.s32 s7, s2  }
0x1e: {  	s7 =	smul.u32 @!p0 $0xF7A, s2;
	p2 =	seq.s32 @!p0 s5, $0x0  }
0x1f: {  	s9 =	smul.u32 $0xF7A, s1;
	s8 =	simm.s32 @!p0 $0x1BF5;
	p2 =	por !p2, p0  }
0x20: {  	[sflag:s8] =	ssyncset.s32 @!p0 $0xFFFFF086;
	s6 =	sadd.s32 @!p0 s3, s7;
	s7 =	simm.s32 @!p0 $0x108  }
0x21: {  	s3 =	sadd.s32 s3, s9;
	s6 =	sadd.s32 @!p0 $0x88, s6;
	s7 =	simm.s32 @p2 $0x1082  }
0x22: {  	[simem:s7], [sflag:s8] =	dma.local @!p0 [hbm:s6], $0xF7A  }
0x23: {  	s9 =	sor.u32 $0xD0000000, s2;
	s6 =	simm.s32 $0x108;
	_ =	swait.ge @!p0 [sflag:s8], $0x0  }
0x24: {  	s3 =	sadd.s32 $0x88, s3;
	s6 =	simm.s32 @!p1 $0x1082;
	[sflag:s4] =	ssyncset.s32 $0xFFFFF086  }
0x25: {  	[simem:s6], [sflag:s4] =	dma.local [hbm:s3], $0xF7A  }
0x26: {  	[smem:$0x3F9F] =	sst s1;
	(tag) =	ssettag s2;
	_ =	strace s9  }
0x27: {  	s1 =	sld [smem:$0x3FAF]  }
0x28: {  	s2 =	sld [smem:$0x3FB0]  }
0x29: {  	s4 =	sld [smem:$0x3FB2]  }
0x2a: {  	p0 =	seq.s32 s5, $0x0;
	s5 =	sld [smem:$0x3FB3]  }
0x2b: {  	s6 =	sld [smem:$0x3FB4]  }
0x2c: {  	s7 =	sld [smem:$0x3FB5]  }
0x2d: {  	s3 =	simm.s32 $0x108;
	s8 =	sld [smem:$0x3FB6]  }
0x2e: {  	s3 =	simm.s32 @!p0 $0x1082;
	s9 =	sld [smem:$0x3FB7]  }
0x2f: {  	lr =	sadd.s32 s0, s3;
	s0 =	sld [smem:$0x3FAE]  }
0x30: {  	s3 =	sld [smem:$0x3FB1]  }
0x31: {  	[smem:$0x3FBA] =	sst s10  }
0x32: {  	s10 =	sld [smem:$0x3FB8];
	_ =	sdelay $0x3  }
0x33: {  	p0 =	seq.s32 s10, $0x1;
	s10 =	sld [smem:$0x3FBA];
	_ =	sdelay $0x3  }
0x34: {  	[smem:$0x3FBA] =	sst s10  }
0x35: {  	s10 =	sld [smem:$0x3FB9];
	_ =	sdelay $0x3  }
0x36: {  	p1 =	seq.s32 s10, $0x1;
	s10 =	sld [smem:$0x3FBA];
	_ =	sdelay $0x3  }
0x37: {  	[smem:$0x3FBA] =	sst s10  }
0x38: {  	s10 =	sld [smem:$0x3FBB]  }
0x39: {  	_ = 	snop;
	(pc) =	sbr.ind lr, $3  }
0x3a: {  	_ = 	snop  }
0x3b: {  	_ = 	snop  }
0x3c: {  	p2 =	seq.s32 s10, $0x1;
	s10 =	sld [smem:$0x3FBA]  }
0x3d: {  	_ =	shalt  }
0x3e: {  	_ =	shalt  }
0x3f: {  	_ =	shalt  }
0x40: {  	_ =	shalt  }
0x41: {  	_ =	shalt  }
0x42: {  	_ =	shalt  }
0x43: {  	_ =	shalt  }
0x44: {  	_ =	shalt  }
0x45: {  	_ =	shalt  }
0x46: {  	_ =	shalt  }
0x47: {  	_ =	shalt  }
0x48: {  	_ =	shalt  }
0x49: {  	_ =	shalt  }
0x4a: {  	_ =	shalt  }
0x4b: {  	_ =	shalt  }
0x4c: {  	_ =	shalt  }
0x4d: {  	_ =	shalt  }
0x4e: {  	_ =	shalt  }
0x4f: {  	_ =	shalt  }
0x50: {  	_ =	shalt  }
0x51: {  	_ =	shalt  }
0x52: {  	_ =	shalt  }
0x53: {  	_ =	shalt  }
0x54: {  	_ =	shalt  }
0x55: {  	_ =	shalt  }
0x56: {  	_ =	shalt  }
0x57: {  	_ =	shalt  }
0x58: {  	_ =	shalt  }
0x59: {  	_ =	shalt  }
0x5a: {  	_ =	shalt  }
0x5b: {  	_ =	shalt  }
0x5c: {  	_ =	shalt  }
0x5d: {  	_ =	shalt  }
0x5e: {  	_ =	shalt  }
0x5f: {  	_ =	shalt  }
0x60: {  	_ =	shalt  }
0x61: {  	_ =	shalt  }
0x62: {  	_ =	shalt  }
0x63: {  	_ =	shalt  }
0x64: {  	_ =	shalt  }
0x65: {  	_ =	shalt  }
0x66: {  	_ =	shalt  }
0x67: {  	_ =	shalt  }
0x68: {  	_ =	shalt  }
0x69: {  	_ =	shalt  }
0x6a: {  	_ =	shalt  }
0x6b: {  	_ =	shalt  }
0x6c: {  	_ =	shalt  }
0x6d: {  	_ =	shalt  }
0x6e: {  	_ =	shalt  }
0x6f: {  	_ =	shalt  }
0x70: {  	_ =	shalt  }
0x71: {  	_ =	shalt  }
0x72: {  	_ =	shalt  }
0x73: {  	_ =	shalt  }
0x74: {  	_ =	shalt  }
0x75: {  	_ =	shalt  }
0x76: {  	_ =	shalt  }
0x77: {  	_ =	shalt  }
0x78: {  	_ =	shalt  }
0x79: {  	_ =	shalt  }
0x7a: {  	_ =	shalt  }
0x7b: {  	_ =	shalt  }
0x7c: {  	_ =	shalt  }
0x7d: {  	_ =	shalt  }
0x7e: {  	_ =	shalt  }
0x7f: {  	_ =	shalt  }
0x80: {  	_ =	shalt  }
0x81: {  	_ =	shalt  }
0x82: {  	_ =	shalt  }
0x83: {  	_ =	shalt  }
0x84: {  	_ =	shalt  }
0x85: {  	_ =	shalt  }
0x86: {  	_ =	shalt  }
0x87: {  	_ =	shalt  }
.Lfunc_end0:
.L_simem_size_0:
called_computation.1_lowered:
.L_overlay_start_0:
0x88: {  	s2 =	sld [smem:$0x3FD9]  }
0x89: {  	s3 =	sld [smem:$0x3FFE];
	_ =	sdelay $0x1  }
0x8a: {  	s1 =	srdreg.scid  }
0x8b: {  	s0 =	sand.u32 $0x1, s1  }
0x8c: {  	s17 =	sshll.u32 s0, $0xA;
	s2 =	sadd.s32 s3, s2  }
0x8d: {  	s2 =	sadd.s32 s2, s17  }
0x8e: {  	[smem:$0x3FC6] =	sst s2  }
0x8f: {  	_ = 	snop  }
0x90: {  	s2 =	sld [smem:$0x3FD0];
	(tm) =	ssettm $0x1  }
0x91: {  	s18 =	sld [smem:$0x3FFB];
	_ =	sdelay $0x3  }
0x92: {  	_ =	strace s18  }
0x93: {  	s3 =	sld [smem:$0x3FFC];
	_ =	sdelay $0x3  }
0x94: {  	_ =	strace s3  }
0x95: {  	s3 =	sld [smem:$0x3FFD];
	_ =	sdelay $0x3  }
0x96: {  	_ =	strace s3  }
0x97: {  	_ =	strace $0x8FFFFFFF  }
0x98: {  	s19 =	sld [smem:$0x3FDB];
	_ =	sdelay $0x1  }
0x99: {  	s4 =	simm.s32 $_scs_section_size  }
0x9a: {  	s5 =	simm.s32 $_size__tile_overlayer_lowered;
	s6 =	simm.s32 $_tile_overlayer_lowered  }
0x9b: {  	s22 =	simm.s32 $0x1BFF;
	s21 =	sshll.u32 s6, $0x1;
	s3 =	sadd.s32 s4, s19  }
0x9c: {  	s7 =	simm.s32 $0x0;
	s20 =	sshll.u32 s5, $0x1;
	s5 =	sadd.s32 s21, s3  }
0x9d: {  	[timem:s7], [sflag:s22] =	dma.local [hbm:s5], s20  }
0x9e: {  	_ =	swait.ge [sflag:s22], s20  }
0x9f: {  	s4 =	ssub.s32 $0x0, s20;
	[sflag:s22] =	ssyncset.done $0x0  }
0xa0: {  	[sflag:s22] =	ssyncadd.s32 s4;
	_ =	sdelay $0x1  }
0xa1: {  	s23 =	simm.s32 $0x1B8B  }
0xa2: {  	_ =	swait.ge [sflag:s23], $0x1  }
0xa3: {  	[sflag:s23] =	ssyncset.done $0x0  }
0xa4: {  	s25 =	simm.s32 $0x1B8E;
	s24 =	sld [smem:$0x3FFE];
	[sflag:s23] =	ssyncadd.s32 $0xFFFFFFFF  }
0xa5: {  	s26 =	simm.s32 $execute0_lowered;
	[smem:$0x3FD2] =	sst s25  }
0xa6: {  	s5 =	sshll.u32 s26, $0x1;
	_ =	strace $0x80000046;
	[dreg:$0x1] =	wrdreg $0xFFFFFFFF  }
0xa7: {  	s28 =	simm.s32 $_size_execute0_lowered;
	s3 =	sadd.s32 s3, s5;
	[dreg:$0x0] =	wrdreg $0x0  }
0xa8: {  	s5 =	sshll.u32 s28, $0x1;
	[dreg:$0x2] =	wrdreg s3  }
0xa9: {  	[dreg:$0x3] =	wrdreg s5  }
0xaa: {  	[dreg:$0x4] =	wrdreg $0xC0  }
0xab: {  	_ =	task [dreg:s7], $0x5FFFF  }
0xac: {  	[dreg:$0x1] =	wrdreg $0xFFFFFFFF  }
0xad: {  	[dreg:$0x0] =	wrdreg $0x60  }
0xae: {  	[dreg:$0x2] =	wrdreg s2  }
0xaf: {  	[dreg:$0x3] =	wrdreg s24  }
0xb0: {  	[dreg:$0x4] =	wrdreg $0x164000  }
0xb1: {  	[dreg:$0x5] =	wrdreg $0x9  }
0xb2: {  	_ =	task.clear_ibuf [dreg:s7], $0x6FFFF;
	_ =	strace $0x90000046  }
0xb3: {  	s29 =	simm.s32 $0x9;
	_ =	strace $0x80000048  }
0xb4: {  	_ =	swait.ge [sflag:s29], $0x1  }
0xb5: {  	[sflag:s29] =	ssyncadd.s32 $0xFFFFFFFF  }
0xb6: {  	_ =	strace $0x90000048  }
0xb7: {  	_ =	sfence  }
0xb8: {  	s30 =	sld [smem:$0x0];
	_ =	sdelay $0x2  }
0xb9: {  	s31 =	sshll.u32 s1, $0xD;
	s1 =	sshrl.u32 s1, $0x2  }
0xba: {  	s3 =	sand.u32 $0x4000, s31;
	s1 =	sadd.s32 s1, s30  }
0xbb: {  	s0 =	sor.u32 s3, s0;
	s1 =	sshll.u32 s1, $0x11  }
0xbc: {  	s0 =	sor.u32 s1, s0  }
0xbd: {  	s0 =	sadd.s32 $0x8F2B, s0  }
0xbe: {  	[sflag:s0] =	ssyncadd.remote.s32 $0x1  }
0xbf: {  	_ =	sfence.sel $0xFFFF  }
0xc0: {  	[dreg:$0x0] =	wrdreg $0xFFFFFFFF;
	(pc) =	sbr.abs _section_cstart, $3  }
0xc1: {  	[dreg:$0x1] =	wrdreg $0xFFFFFFFF  }
0xc2: {  	_ =	task.clear_ibuf [dreg:s7], $0x2FFFF;
	_ =	strace $0x9FFFFFFF  }
0xc3: {  	(tm) =	ssettm $0x7FFFFFFF  }
tec
execute0_lowered:
.L_overlay_start_1:
0x0: {  	(tag) =	ssettag $0x1  }
0x1: {  	s0 =	rddreg [dreg:$0x0]  }
0x2: {  	s2 =	rddreg [dreg:$0x1]  }
0x3: {  	s1 =	rddreg [dreg:$0x2];
	s3 =	simm.s32 $0x0  }
0x4: {  	s20 =	stileid.u32;
	s4 =	srdreg.scid;
	s16 =	simm.s32 $0x80  }
0x5: {  	s29 =	simm.s32 $0x12400;
	s31 =	simm.s32 $0x14400;
	s19 =	simm.s32 $0x40  }
0x6: {  	s28 =	simm.s32 $0x5;
	s30 =	simm.s32 $0x6;
	s15 =	simm.s32 $0x10  }
0x7: {  	[smem:$0x7FF] =	sst s3;
	s5 =	smul.u32 $0x640000, s20;
	s6 =	sadd.s32 $0x800, s2  }
0x8: {  	s4 =	sand.u32 $0x1, s4;
	s21 =	smul.u32 $0xC800, s20;
	s2 =	sadd.s32 $0x2800, s2  }
0x9: {  	s7 =	sshll.u32 s20, $0x1;
	p0 =	sne.s32 s20, $0x0;
	s20 =	simm.s32 $0xA400  }
0xa: {  	s3 =	simm.s32 $0x8;
	_ =	strace $0x80000047;
	s8 =	smul.u32 $0x6400, s4  }
0xb: {  	s9 =	ssub.s32 $0x2, s4;
	s7 =	sor.u32 s4, s7;
	s4 =	smul.u32 $0x320000, s4  }
0xc: {  	[dreg:$0x4] =	wrdreg s6;
	s10 =	sshrl.u32 s9, $0x1;
	s7 =	smul.u32 $0xC80, s7  }
0xd: {  	s6 =	sadd.s32 s8, s21;
	s22 =	ssub.s32 s9, s10;
	s4 =	sadd.s32 s4, s5  }
0xe: {  	s21 =	simm.s32 $0x2;
	s5 =	simm.s32 $0x0;
	s23 =	sshll.u32 s6, $0x4  }
0xf: {  	s0 =	sadd.s32 s0, s7;
	s24 =	sshrl.u32 s4, $0x3;
	s26 =	smax.u32 s22, $0x1  }
0x10: {  	s22 =	simm.s32 $0xC400;
	[dreg:$0x5] =	wrdreg s0;
	s25 =	sadd.s32 s23, s2  }
0x11: {  	[dreg:$0x6] =	wrdreg s26;
	s6 =	sadd.s32 s24, s2;
	s0 =	sshrl.u32 @!p0 s1, $0x3  }
.Ltmp0:
0x12: {  	s24 =	simm.s32 $0xE400;
	s26 =	simm.s32 $0x10400;
	(pc) =	sbr.rel .LBB2_1-.Ltmp0, $4  }
0x13: {  	s23 =	simm.s32 $0x3;
	s2 =	simm.s32 $0x7;
	s7 =	sadd.s32 $0x3800, s25  }
0x14: {  	s8 =	sadd.s32 $0x3000, s25;
	s9 =	sadd.s32 $0x2800, s25;
	s10 =	sadd.s32 $0x2000, s25  }
0x15: {  	s11 =	sadd.s32 $0x1800, s25;
	s12 =	sadd.s32 $0x1000, s25;
	s13 =	sadd.s32 $0x800, s25  }
0x16: {  	[dreg:$0x7] =	wrdreg s0;
	s0 =	simm.s32 $0x1;
	s25 =	simm.s32 $0x4  }
.LBB2_4:
0x17: {  	s4 =	simm.s32 $0x9  }
0x18: {  	_ =	swait.ge [sflag:s4], $0x2000  }
0x19: {  	[sflag:s4] =	ssyncset.done $0x0  }
0x1a: {  	s14 =	simm.s32 $0xA;
	[sflag:s4] =	ssyncadd.s32 $0xFFFFE000  }
0x1b: {  	_ =	swait.ge [sflag:s14], $0x2000  }
0x1c: {  	[sflag:s14] =	ssyncset.done $0x0  }
0x1d: {  	s17 =	simm.s32 $0xB;
	[sflag:s14] =	ssyncadd.s32 $0xFFFFE000  }
0x1e: {  	_ =	swait.ge [sflag:s17], $0x2000  }
0x1f: {  	[sflag:s17] =	ssyncset.done $0x0  }
0x20: {  	s18 =	simm.s32 $0xC;
	[sflag:s17] =	ssyncadd.s32 $0xFFFFE000  }
0x21: {  	_ =	swait.ge [sflag:s18], $0x2000  }
0x22: {  	[sflag:s18] =	ssyncset.done $0x0  }
0x23: {  	s5 =	simm.s32 $0xD;
	[sflag:s18] =	ssyncadd.s32 $0xFFFFE000  }
0x24: {  	_ =	swait.ge [sflag:s5], $0x2000  }
0x25: {  	[sflag:s5] =	ssyncset.done $0x0  }
0x26: {  	s14 =	simm.s32 $0xE;
	[sflag:s5] =	ssyncadd.s32 $0xFFFFE000  }
0x27: {  	_ =	swait.ge [sflag:s14], $0x2000  }
0x28: {  	[sflag:s14] =	ssyncset.done $0x0  }
0x29: {  	s17 =	simm.s32 $0xF;
	[sflag:s14] =	ssyncadd.s32 $0xFFFFE000  }
0x2a: {  	_ =	swait.ge [sflag:s17], $0x2000  }
0x2b: {  	[sflag:s17] =	ssyncset.done $0x0  }
0x2c: {  	[sflag:s17] =	ssyncadd.s32 $0xFFFFE000  }
0x2d: {  	_ =	swait.ge [sflag:s15], $0x2000  }
0x2e: {  	s5 =	rddreg [dreg:$0x8]  }
0x2f: {  	s18 =	rddreg [dreg:$0x6];
	s5 =	sadd.s32 $0x1, s5  }
0x30: {  	p1 =	sne.s32 s5, s18  }
.Ltmp1:
0x31: {  	_ = 	snop;
	(pc) =	sbr.rel @!p1 .LBB2_5-.Ltmp1, $3  }
0x32: {  	_ =	sdelay $0x1  }
0x33: {  	[sflag:s15] =	ssyncset.done $0x0  }
0x34: {  	[sflag:s15] =	ssyncadd.s32 $0xFFFFE000  }
.LBB2_1:
0x35: {  	[dreg:$0x8] =	wrdreg s5  }
0x36: {  	s4 =	rddreg [dreg:$0x5]  }
0x37: {  	s5 =	simm.s32 $0x0;
	s14 =	rddreg [dreg:$0x4]  }
0x38: {  	[tilespmem:s5], [sflag:$0x11] =	stream.linear.gather [hbm4b:s4+s5], $0x6400, $0x38;
	[tilespmem:$0x173A0] =	vst v63  }
0x39: {  	s17 =	rddreg [dreg:$0x7];
	s4 =	simm.s32 @!p0 $0x1C12  }
0x3a: {  	[spmem:s17], [sflag:s4] =	dma.local @!p0 [hbm:s14], $0x1F40  }
0x3b: {  	s4 =	simm.s32 @!p0 $0x12  }
0x3c: {  	_ =	swait.ge @!p0 [sflag:s4], $0x1F40  }
0x3d: {  	[sflag:s4] =	ssyncset.done @!p0 $0x0  }
0x3e: {  	s17 =	simm.s32 $0x11;
	[sflag:s4] =	ssyncadd.s32 @!p0 $0xFFFFE0C0  }
0x3f: {  	_ =	swait.ge [sflag:s17], $0x6400  }
0x40: {  	[sflag:s17] =	ssyncset.done $0x0  }
0x41: {  	[sflag:s17] =	ssyncadd.s32 $0xFFFF9C00  }
0x42: {  	s18 =	simm.s32 $0x6400;
	[bflag:$0x0] =	sbarrier.arrive $0xFFFF  }
0x43: {  	[tilespmem:s18], [sflag:$0x1] =	stream.indirect.gather [spmem:s1], $0x40, s5, s16, $0xb8;
	[tilespmem:$0x173A0] =	vst v63  }
0x44: {  	s14 =	simm.s32 $0x8400  }
0x45: {  	[tilespmem:s14], [sflag:$0x2] =	stream.indirect.gather [spmem:s1], $0x40, s16, s16, $0xb8;
	[tilespmem:$0x173A0] =	vst v63  }
0x46: {  	s17 =	simm.s32 $0x100  }
0x47: {  	[tilespmem:s20], [sflag:$0x3] =	stream.indirect.gather [spmem:s1], $0x40, s17, s16, $0xb8;
	[tilespmem:$0x173A0] =	vst v63  }
0x48: {  	s18 =	simm.s32 $0x180  }
0x49: {  	[tilespmem:s22], [sflag:$0x4] =	stream.indirect.gather [spmem:s1], $0x40, s18, s16, $0xb8;
	[tilespmem:$0x173A0] =	vst v63  }
0x4a: {  	s5 =	simm.s32 $0x200  }
0x4b: {  	[tilespmem:s24], [sflag:$0x5] =	stream.indirect.gather [spmem:s1], $0x40, s5, s16, $0xb8;
	[tilespmem:$0x173A0] =	vst v63  }
0x4c: {  	s14 =	simm.s32 $0x280  }
0x4d: {  	[tilespmem:s26], [sflag:$0x6] =	stream.indirect.gather [spmem:s1], $0x40, s14, s16, $0xb8;
	[tilespmem:$0x173A0] =	vst v63  }
0x4e: {  	s17 =	simm.s32 $0x300  }
0x4f: {  	[tilespmem:s29], [sflag:$0x7] =	stream.indirect.gather [spmem:s1], $0x40, s17, s16, $0xb8;
	[tilespmem:$0x173A0] =	vst v63  }
0x50: {  	s18 =	simm.s32 $0x380;
	s5 =	simm.s32 $0x400;
	s14 =	simm.s32 $0x0  }
0x51: {  	[tilespmem:s31], [sflag:$0x8] =	stream.indirect.gather [spmem:s1], $0x40, s18, s16, $0xb8;
	[tilespmem:$0x173A0] =	vst v63  }
.LBB2_2:
0x52: {  	_ =	swait.ge [sflag:s0], $0x2000  }
0x53: {  	s4 =	sadd.s32 s14, s6;
	[sflag:s0] =	ssyncset.done $0x0  }
0x54: {  	s17 =	simm.s32 $0x6400;
	p1 =	seq.s32 s14, $0x60000;
	[sflag:s0] =	ssyncadd.s32 $0xFFFFE000  }
0x55: {  	[hbm4b:s4+s19] =	stream.strided.scatter [tilespmem:s17], [sflag:$0x9], $0x2000, s16, s19, $0x38;
	[tilespmem:$0x173A0] =	vst v63  }
0x56: {  	s4 =	simm.s32 @!p1 $0x9  }
0x57: {  	_ =	swait.ge @!p1 [sflag:s4], $0x2000  }
0x58: {  	[sflag:s4] =	ssyncset.done @!p1 $0x0  }
0x59: {  	s17 =	simm.s32 @!p1 $0x6400;
	[sflag:s4] =	ssyncadd.s32 @!p1 $0xFFFFE000;
	s4 =	simm.s32 @!p1 $0x80  }
0x5a: {  	[tilespmem:s17], [sflag:$0x1] =	stream.indirect.gather @!p1 [spmem:s1], $0x40, s5, s4, $0xb8;
	[tilespmem:$0x173A0] =	vst v63  }
0x5b: {  	_ =	swait.ge [sflag:s21], $0x2000  }
0x5c: {  	[sflag:s21] =	ssyncset.done $0x0  }
0x5d: {  	s18 =	simm.s32 $0x8400;
	s17 =	sadd.s32 s14, s13;
	[sflag:s21] =	ssyncadd.s32 $0xFFFFE000  }
0x5e: {  	[hbm4b:s17+s19] =	stream.strided.scatter [tilespmem:s18], [sflag:$0xA], $0x2000, s16, s19, $0x38;
	[tilespmem:$0x173A0] =	vst v63  }
0x5f: {  	s17 =	simm.s32 @!p1 $0xA  }
0x60: {  	_ =	swait.ge @!p1 [sflag:s17], $0x2000  }
0x61: {  	[sflag:s17] =	ssyncset.done @!p1 $0x0  }
0x62: {  	s18 =	simm.s32 @!p1 $0x8400;
	[sflag:s17] =	ssyncadd.s32 @!p1 $0xFFFFE000;
	s17 =	sadd.s32 @!p1 $0x80, s5  }
0x63: {  	[tilespmem:s18], [sflag:$0x2] =	stream.indirect.gather @!p1 [spmem:s1], $0x40, s17, s4, $0xb8;
	[tilespmem:$0x173A0] =	vst v63  }
0x64: {  	_ =	swait.ge [sflag:s23], $0x2000  }
0x65: {  	[sflag:s23] =	ssyncset.done $0x0  }
0x66: {  	s18 =	sadd.s32 s14, s12;
	s17 =	simm.s32 @!p1 $0xB;
	[sflag:s23] =	ssyncadd.s32 $0xFFFFE000  }
0x67: {  	[hbm4b:s18+s19] =	stream.strided.scatter [tilespmem:s20], [sflag:$0xB], $0x2000, s16, s19, $0x38;
	[tilespmem:$0x173A0] =	vst v63  }
0x68: {  	_ =	swait.ge @!p1 [sflag:s17], $0x2000  }
0x69: {  	[sflag:s17] =	ssyncset.done @!p1 $0x0  }
0x6a: {  	s18 =	simm.s32 @!p1 $0xA400;
	[sflag:s17] =	ssyncadd.s32 @!p1 $0xFFFFE000;
	s17 =	sadd.s32 @!p1 $0x100, s5  }
0x6b: {  	[tilespmem:s18], [sflag:$0x3] =	stream.indirect.gather @!p1 [spmem:s1], $0x40, s17, s4, $0xb8;
	[tilespmem:$0x173A0] =	vst v63  }
0x6c: {  	_ =	swait.ge [sflag:s25], $0x2000  }
0x6d: {  	[sflag:s25] =	ssyncset.done $0x0  }
0x6e: {  	s18 =	sadd.s32 s14, s11;
	s17 =	simm.s32 @!p1 $0xC;
	[sflag:s25] =	ssyncadd.s32 $0xFFFFE000  }
0x6f: {  	[hbm4b:s18+s19] =	stream.strided.scatter [tilespmem:s22], [sflag:$0xC], $0x2000, s16, s19, $0x38;
	[tilespmem:$0x173A0] =	vst v63  }
0x70: {  	_ =	swait.ge @!p1 [sflag:s17], $0x2000  }
0x71: {  	[sflag:s17] =	ssyncset.done @!p1 $0x0  }
0x72: {  	s18 =	simm.s32 @!p1 $0xC400;
	[sflag:s17] =	ssyncadd.s32 @!p1 $0xFFFFE000;
	s17 =	sadd.s32 @!p1 $0x180, s5  }
0x73: {  	[tilespmem:s18], [sflag:$0x4] =	stream.indirect.gather @!p1 [spmem:s1], $0x40, s17, s4, $0xb8;
	[tilespmem:$0x173A0] =	vst v63  }
0x74: {  	_ =	swait.ge [sflag:s28], $0x2000  }
0x75: {  	[sflag:s28] =	ssyncset.done $0x0  }
0x76: {  	s18 =	sadd.s32 s14, s10;
	s17 =	simm.s32 @!p1 $0xD;
	[sflag:s28] =	ssyncadd.s32 $0xFFFFE000  }
0x77: {  	[hbm4b:s18+s19] =	stream.strided.scatter [tilespmem:s24], [sflag:$0xD], $0x2000, s16, s19, $0x38;
	[tilespmem:$0x173A0] =	vst v63  }
0x78: {  	_ =	swait.ge @!p1 [sflag:s17], $0x2000  }
0x79: {  	[sflag:s17] =	ssyncset.done @!p1 $0x0  }
0x7a: {  	s18 =	simm.s32 @!p1 $0xE400;
	[sflag:s17] =	ssyncadd.s32 @!p1 $0xFFFFE000;
	s17 =	sadd.s32 @!p1 $0x200, s5  }
0x7b: {  	[tilespmem:s18], [sflag:$0x5] =	stream.indirect.gather @!p1 [spmem:s1], $0x40, s17, s4, $0xb8;
	[tilespmem:$0x173A0] =	vst v63  }
0x7c: {  	_ =	swait.ge [sflag:s30], $0x2000  }
0x7d: {  	[sflag:s30] =	ssyncset.done $0x0  }
0x7e: {  	s18 =	sadd.s32 s14, s9;
	s17 =	simm.s32 @!p1 $0xE;
	[sflag:s30] =	ssyncadd.s32 $0xFFFFE000  }
0x7f: {  	[hbm4b:s18+s19] =	stream.strided.scatter [tilespmem:s26], [sflag:$0xE], $0x2000, s16, s19, $0x38;
	[tilespmem:$0x173A0] =	vst v63  }
0x80: {  	_ =	swait.ge @!p1 [sflag:s17], $0x2000  }
0x81: {  	[sflag:s17] =	ssyncset.done @!p1 $0x0  }
0x82: {  	s18 =	simm.s32 @!p1 $0x10400;
	[sflag:s17] =	ssyncadd.s32 @!p1 $0xFFFFE000;
	s17 =	sadd.s32 @!p1 $0x280, s5  }
0x83: {  	[tilespmem:s18], [sflag:$0x6] =	stream.indirect.gather @!p1 [spmem:s1], $0x40, s17, s4, $0xb8;
	[tilespmem:$0x173A0] =	vst v63  }
0x84: {  	_ =	swait.ge [sflag:s2], $0x2000  }
0x85: {  	[sflag:s2] =	ssyncset.done $0x0  }
0x86: {  	s18 =	sadd.s32 s14, s8;
	s17 =	simm.s32 @!p1 $0xF;
	[sflag:s2] =	ssyncadd.s32 $0xFFFFE000  }
0x87: {  	[hbm4b:s18+s19] =	stream.strided.scatter [tilespmem:s29], [sflag:$0xF], $0x2000, s16, s19, $0x38;
	[tilespmem:$0x173A0] =	vst v63  }
0x88: {  	_ =	swait.ge @!p1 [sflag:s17], $0x2000  }
0x89: {  	[sflag:s17] =	ssyncset.done @!p1 $0x0  }
0x8a: {  	s18 =	simm.s32 @!p1 $0x12400;
	[sflag:s17] =	ssyncadd.s32 @!p1 $0xFFFFE000;
	s17 =	sadd.s32 @!p1 $0x300, s5  }
0x8b: {  	[tilespmem:s18], [sflag:$0x7] =	stream.indirect.gather @!p1 [spmem:s1], $0x40, s17, s4, $0xb8;
	[tilespmem:$0x173A0] =	vst v63  }
.Ltmp2:
0x8c: {  	_ = 	snop;
	(pc) =	sbr.rel @p1 .LBB2_4-.Ltmp2, $4  }
0x8d: {  	_ =	swait.ge [sflag:s3], $0x2000  }
0x8e: {  	[sflag:s3] =	ssyncset.done $0x0  }
0x8f: {  	s18 =	sadd.s32 s14, s7;
	[sflag:s3] =	ssyncadd.s32 $0xFFFFE000  }
0x90: {  	[hbm4b:s18+s19] =	stream.strided.scatter [tilespmem:s31], [sflag:$0x10], $0x2000, s16, s19, $0x38;
	[tilespmem:$0x173A0] =	vst v63  }
.Ltmp3:
0x91: {  	(pc) =	sbr.rel .LBB2_2-.Ltmp3, $4  }
0x92: {  	_ =	swait.ge [sflag:s15], $0x2000  }
0x93: {  	s4 =	sadd.s32 $0x380, s5;
	[sflag:s15] =	ssyncset.done $0x0  }
0x94: {  	s14 =	sadd.s32 $0x4000, s14;
	s5 =	sadd.s32 $0x400, s5;
	[sflag:s15] =	ssyncadd.s32 $0xFFFFE000  }
0x95: {  	[tilespmem:s31], [sflag:$0x8] =	stream.indirect.gather [spmem:s1], $0x40, s4, s16, $0xb8;
	[tilespmem:$0x173A0] =	vst v63  }
.LBB2_5:
0x96: {  	_ =	sfence.sel $0x180000  }
0x97: {  	[bflag:$0x0] =	sbarrier.arrive $0xFFFF  }
0x98: {  	_ =	strace $0x90000047  }
0x99: {  	[bflag:$0x2] =	sbarrier.arrive $0xFFFF  }
0x9a: {  	s0 =	rddreg [dreg:$0x3]  }
0x9b: {  	s0 =	sadd.s32 @!p0 $0x100000, s0  }
0x9c: {  	[sflag:s0] =	ssyncadd.tile.s32 @!p0 $0x1;
	_ =	shalt  }
.Lfunc_end2:
_tile_overlayer_lowered:
.L_overlay_start_2:
0x9d: {  	(tag) =	ssettag $0x2  }
0x9e: {  	s0 =	rddreg [dreg:$0x0];
	s2 =	stileid.u32  }
0x9f: {  	s1 =	rddreg [dreg:$0x1];
	p0 =	sne.s32 s2, $0x0  }
0xa0: {  	s3 =	rddreg [dreg:$0x2];
	[bflag:$0x3] =	sbarrier.arrive $0xFFFF;
	s2 =	simm.s32 @!p0 $0x1C12  }
0xa1: {  	[timem:s3], [sflag:s2] =	dma.local @!p0 [hbm:s0], s1  }
0xa2: {  	s0 =	simm.s32 @!p0 $0x12  }
0xa3: {  	_ =	swait.ge @!p0 [sflag:s0], s1  }
0xa4: {  	s1 =	ssub.s32 @!p0 $0x0, s1;
	[sflag:s0] =	ssyncset.done @!p0 $0x0  }
0xa5: {  	[sflag:s0] =	ssyncadd.s32 @!p0 s1  }
0xa6: {  	[bflag:$0x3] =	sbarrier.arrive $0xFFFF  }
0xa7: {  	_ =	shalt  }

// kernel: sparse-core-data-format-call.cloned.1.call-start
scs
called_computation_lowered:
.L_overlay_start_0:
0x0: {  	s2 =	sld [smem:$0x3FD9]  }
0x1: {  	s3 =	sld [smem:$0x3FFE];
	_ =	sdelay $0x1  }
0x2: {  	s1 =	srdreg.scid  }
0x3: {  	s0 =	sand.u32 $0x1, s1  }
0x4: {  	s18 =	sshll.u32 s0, $0xA;
	s2 =	sadd.s32 s3, s2  }
0x5: {  	s2 =	sadd.s32 s2, s18  }
0x6: {  	[smem:$0x3FC6] =	sst s2  }
0x7: {  	_ = 	snop  }
0x8: {  	s2 =	sld [smem:$0x3FD0];
	(tm) =	ssettm $0x1  }
0x9: {  	s19 =	sld [smem:$0x3FFB];
	_ =	sdelay $0x3  }
0xa: {  	_ =	strace s19  }
0xb: {  	s3 =	sld [smem:$0x3FFC];
	_ =	sdelay $0x3  }
0xc: {  	_ =	strace s3  }
0xd: {  	s3 =	sld [smem:$0x3FFD];
	_ =	sdelay $0x3  }
0xe: {  	_ =	strace s3  }
0xf: {  	_ =	strace $0x8FFFFFFF  }
0x10: {  	s20 =	sld [smem:$0x3FDB];
	_ =	sdelay $0x1  }
0x11: {  	s4 =	simm.s32 $_scs_section_size  }
0x12: {  	s5 =	simm.s32 $_size__tile_overlayer_lowered;
	s6 =	simm.s32 $_tile_overlayer_lowered  }
0x13: {  	s23 =	simm.s32 $0x1BFF;
	s22 =	sshll.u32 s6, $0x1;
	s3 =	sadd.s32 s4, s20  }
0x14: {  	s7 =	simm.s32 $0x0;
	s21 =	sshll.u32 s5, $0x1;
	s5 =	sadd.s32 s22, s3  }
0x15: {  	[timem:s7], [sflag:s23] =	dma.local [hbm:s5], s21  }
0x16: {  	_ =	swait.ge [sflag:s23], s21  }
0x17: {  	s4 =	ssub.s32 $0x0, s21;
	[sflag:s23] =	ssyncset.done $0x0  }
0x18: {  	[sflag:s23] =	ssyncadd.s32 s4;
	_ =	sdelay $0x1  }
0x19: {  	s24 =	simm.s32 $0x1B8B  }
0x1a: {  	_ =	swait.ge [sflag:s24], $0x1  }
0x1b: {  	[sflag:s24] =	ssyncset.done $0x0  }
0x1c: {  	s26 =	simm.s32 $0x1B8E;
	s25 =	sld [smem:$0x3FFE];
	[sflag:s24] =	ssyncadd.s32 $0xFFFFFFFF  }
0x1d: {  	s27 =	simm.s32 $execute0_lowered;
	[smem:$0x3FD2] =	sst s26  }
0x1e: {  	s5 =	sshll.u32 s27, $0x1;
	_ =	strace $0x80000049;
	[dreg:$0x1] =	wrdreg $0xFFFFFFFF  }
0x1f: {  	s28 =	simm.s32 $_size_execute0_lowered;
	s3 =	sadd.s32 s3, s5;
	[dreg:$0x0] =	wrdreg $0x0  }
0x20: {  	s5 =	sshll.u32 s28, $0x1;
	[dreg:$0x2] =	wrdreg s3  }
0x21: {  	[dreg:$0x3] =	wrdreg s5  }
0x22: {  	[dreg:$0x4] =	wrdreg $0xC0  }
0x23: {  	_ =	task [dreg:s7], $0x5FFFF  }
0x24: {  	[dreg:$0x1] =	wrdreg $0xFFFFFFFF  }
0x25: {  	[dreg:$0x0] =	wrdreg $0x60  }
0x26: {  	[dreg:$0x2] =	wrdreg s25  }
0x27: {  	[dreg:$0x3] =	wrdreg s2  }
0x28: {  	[dreg:$0x4] =	wrdreg $0x9  }
0x29: {  	_ =	task.clear_ibuf [dreg:s7], $0x5FFFF;
	_ =	strace $0x90000049  }
0x2a: {  	s29 =	simm.s32 $0x9;
	_ =	strace $0x8000004B  }
0x2b: {  	_ =	swait.ge [sflag:s29], $0x1  }
0x2c: {  	[sflag:s29] =	ssyncadd.s32 $0xFFFFFFFF  }
0x2d: {  	_ =	strace $0x9000004B  }
0x2e: {  	_ =	sfence  }
0x2f: {  	s30 =	sld [smem:$0x0];
	_ =	sdelay $0x2  }
0x30: {  	s31 =	sshll.u32 s1, $0xD;
	s1 =	sshrl.u32 s1, $0x2  }
0x31: {  	s3 =	sand.u32 $0x4000, s31;
	s1 =	sadd.s32 s1, s30  }
0x32: {  	s0 =	sor.u32 s3, s0;
	s1 =	sshll.u32 s1, $0x11  }
0x33: {  	s0 =	sor.u32 s1, s0  }
0x34: {  	s0 =	sadd.s32 $0x8F2B, s0  }
0x35: {  	[sflag:s0] =	ssyncadd.remote.s32 $0x1  }
0x36: {  	_ =	sfence.sel $0xFFFF  }
0x37: {  	[dreg:$0x0] =	wrdreg $0xFFFFFFFF;
	(pc) =	sbr.abs _section_cstart, $3  }
0x38: {  	[dreg:$0x1] =	wrdreg $0xFFFFFFFF  }
0x39: {  	_ =	task.clear_ibuf [dreg:s7], $0x2FFFF;
	_ =	strace $0x9FFFFFFF  }
0x3a: {  	(tm) =	ssettm $0x7FFFFFFF  }
0x3b: {  	_ =	shalt  }
tec
execute0_lowered:
.L_overlay_start_1:
0x0: {  	(tag) =	ssettag $0x1  }
0x1: {  	s0 =	srdreg.scid  }
0x2: {  	s1 =	sshll.u32 s0, $0x4  }
0x3: {  	s0 =	stileid.u32;
	s1 =	sand.u32 $0x10, s1  }
0x4: {  	s1 =	sor.u32 s0, s1  }
0x5: {  	s6 =	rddreg [dreg:$0x0];
	s4 =	simm.s32 $0x1;
	s2 =	sshll.u32 s1, $0x7  }
0x6: {  	s7 =	simm.s32 $0x2;
	s12 =	simm.s32 $0x0;
	s1 =	ssub.s32 $0x1000, s2  }
0x7: {  	s8 =	simm.s32 $0x8000;
	s13 =	simm.s32 $0x0;
	s3 =	sand.u32 $0xF80, s1  }
0x8: {  	s9 =	simm.s32 $0x0;
	s5 =	sshrl.u32 s1, $0xC;
	p0 =	sne.s32 s3, $0x0  }
.Ltmp0:
0x9: {  	s1 =	rddreg [dreg:$0x2];
	s4 =	simm.s32 @!p0 $0x0;
	(pc) =	sbr.rel .LBB1_1-.Ltmp0, $4  }
0xa: {  	s11 =	simm.s32 $0x0;
	s3 =	rddreg [dreg:$0x1];
	s5 =	sadd.s32 s4, s5  }
0xb: {  	_ =	strace $0x8000004A;
	s4 =	simm.s32 $0x1;
	s5 =	smul.u32 $0xC8, s5  }
0xc: {  	s6 =	sadd.s32 $0x2800, s6;
	s10 =	smov.u32 s2;
	[sflag:s4] =	ssyncpa.u1 $0x0  }
0xd: {  	p0 =	por $0x0, $0x0;
	[sflag:s7] =	ssyncpa.u1 $0x0;
	s7 =	sor.u32 $0x1, s5  }
.LBB1_4:
0xe: {  	s16 =	sshll.u32 s13, $0x3;
	s17 =	sand.u32 $0x78, s13  }
0xf: {  	s30 =	sand.u32 $0x7E00, s13;
	s12 =	sshll.u32 s12, $0xF;
	s16 =	sand.u32 $0xC00, s16  }
0x10: {  	[tilespmem:s15+$0x810 ss:$0x81] =	vst.msk $0xffff, v2;
	s31 =	sand.u32 $0x7, s13;
	s16 =	sor.u32 s17, s16;
	s17 =	sadd.s32 s3, s30  }
0x11: {  	[tilespmem:s15+$0x1020 ss:$0x81] =	vst.msk $0xffff, v0;
	s13 =	sshll.u32 s31, $0x12;
	s12 =	sadd.s32 s12, s17;
	s16 =	sshrl.u32 s16, $0x3  }
0x12: {  	[tilespmem:s15+$0x0 ss:$0x81] =	vst.msk $0xffff, v1;
	s13 =	sor.u32 $0x400, s13;
	s12 =	sadd.s32 s16, s12  }
0x13: {  	[hbm4b:s12+s13] =	stream.strided.scatter [tilespmem:s14], [sflag:$0x2], $0x2000, s8, s13, $0x20;
	[tilespmem:$0x8080] =	vst v63  }
.LBB1_5:
0x14: {  	s14 =	sadd.s32 $0x1, s9  }
0x15: {  	s12 =	sadd.s32 $0x1000, s10;
	s16 =	smov.u32 s10;
	p2 =	sgt.s32 s14, $0xC7  }
0x16: {  	s16 =	smov.u32 @p2 s12  }
0x17: {  	s14 =	simm.s32 @p2 $0x0;
	p2 =	sgt.s32 s16, $0xFFF  }
0x18: {  	s16 =	smov.u32 @p2 s2;
	p2 =	sne.s32 s11, s7  }
.Ltmp1:
0x19: {  	p1 =	slt.u32 s11, $0x2;
	(pc) =	sbr.rel @!p2 .LBB1_6-.Ltmp1, $4  }
0x1a: {  	s15 =	simm.s32 @!p1 $0x2  }
0x1b: {  	s13 =	smov.u32 s10;
	p0 =	por !p0, !p0;
	_ =	swait.ge @!p1 [sflag:s15], $0x2000  }
0x1c: {  	s12 =	smov.u32 s9;
	[sflag:s15] =	ssyncset.done @!p1 $0x0;
	s9 =	smov.u32 s14  }
0x1d: {  	s11 =	sadd.s32 $0x1, s11;
	[sflag:s15] =	ssyncadd.s32 @!p1 $0xFFFFE000;
	s10 =	smov.u32 s16  }
.LBB1_1:
0x1e: {  	p1 =	sge.u32 s11, s5  }
0x1f: {  	s14 =	sand.u32 @!p1 $0x1FFFFFF, s9  }
0x20: {  	s15 =	smulhi.u32 @!p1 $0x147AE15, s14;
	_ =	sdelay $0x1  }
0x21: {  	s15 =	smul.u32 @!p1 $0xC8, s15  }
0x22: {  	s16 =	sxor.u32 @!p1 $0xFFFFFFFF, s11;
	s17 =	smul.u32 @!p1 $0xC80, s10  }
0x23: {  	s31 =	sadd.s32 $0xFFFFFFFF, s11;
	s16 =	sshll.u32 @!p1 s16, $0xD;
	s14 =	ssub.s32 @!p1 s14, s15  }
0x24: {  	s15 =	sand.u32 @!p1 $0x2000, s16;
	s16 =	sadd.s32 @!p1 s6, s17;
	s14 =	sshll.u32 @!p1 s14, $0x4  }
0x25: {  	s17 =	simm.s32 @!p1 $0x6400;
	s14 =	sadd.s32 @!p1 s14, s16;
	s16 =	simm.s32 @!p1 $0x40  }
0x26: {  	[tilespmem:s15], [sflag:$0x1] =	stream.strided.gather @!p1 [hbm4b:s14+s16], $0x2000, s17, s16, $0x38;
	[tilespmem:$0x8080] =	vst v63  }
0x27: {  	p1 =	sge.u32 s31, s5  }
.Ltmp2:
0x28: {  	_ = 	snop;
	(pc) =	sbr.rel @p1 .LBB1_5-.Ltmp2, $1  }
0x29: {  	_ =	sdelay $0x3  }
0x2a: {  	s14 =	simm.s32 $0x1  }
0x2b: {  	_ =	swait.ge [sflag:s4], $0x2000;
	s14 =	simm.s32 @!p0 $0x0  }
0x2c: {  	[sflag:s4] =	ssyncset.done $0x0;
	s15 =	sshll.u32 s14, $0xD  }
0x2d: {  	[sflag:s4] =	ssyncadd.s32 $0xFFFFE000;
	s18 =	sor.u32 $0x20, s15  }
0x2e: {  	s14 =	smul.u32 $0x8100, s14;
	v3 =	vld [tilespmem:s18+$0x10]  }
0x2f: {  	s30 =	sand.u32 $0x1, s11;
	v2 =	vld [tilespmem:s18+$0xFFFFFFF0]  }
0x30: {  	s15 =	smul.u32 $0x8100, s30;
	s14 =	sshrl.u32 s14, $0x2;
	v0 =	vld [tilespmem:s18+$0x0]  }
0x31: {  	v1 =	vld [tilespmem:s18+$0xFFFFFFE0];
	s16 =	sor.u32 $0x4000, s14  }
0x32: {  	s31 =	sshrl.u32 s15, $0x2;
	s15 =	sadd.s32 $0x0, s16  }
0x33: {  	s17 =	simm.s32 $0x4;
	s18 =	sadd.s32 $0x40, s18;
	s14 =	sor.u32 $0x4000, s31;
	[tilespmem:s15+$0x1830 ss:$0x81] =	vst.msk $0xffff, v3  }
.LBB1_3:
0x34: {  	v3 =	vld [tilespmem:s18+$0x10];
	p1 =	sne.s32 s17, $0x1FC;
	[tilespmem:s15+$0x810 ss:$0x81] =	vst.msk $0xffff, v2;
	s19 =	smov.u32 s17;
	s17 =	sadd.s32 $0x4, s17  }
.Ltmp3:
0x35: {  	v2 =	vld [tilespmem:s18+$0xFFFFFFF0];
	[tilespmem:s15+$0x1020 ss:$0x81] =	vst.msk $0xffff, v0;
	(pc) =	sbr.rel @p1 .LBB1_3-.Ltmp3, $4  }
0x36: {  	v0 =	vld [tilespmem:s18+$0x0];
	[tilespmem:s15+$0x0 ss:$0x81] =	vst.msk $0xffff, v1  }
0x37: {  	s15 =	sshra.s32 s19, $0x2;
	v1 =	vld [tilespmem:s18+$0xFFFFFFE0]  }
0x38: {  	s15 =	sadd.s32 s15, s16  }
0x39: {  	s18 =	sadd.s32 $0x40, s18;
	[tilespmem:s15+$0x1830 ss:$0x81] =	vst.msk $0xffff, v3  }
.Ltmp4:
0x3a: {  	_ = 	snop;
	(pc) =	sbr.rel .LBB1_4-.Ltmp4, $1  }
0x3b: {  	_ =	sdelay $0x3  }
.LBB1_6:
0x3c: {  	_ =	sfence.sel $0x180000  }
0x3d: {  	s2 =	simm.s32 $0x1;
	[bflag:$0x0] =	sbarrier.arrive $0xFFFF  }
0x3e: {  	s31 =	simm.s32 $0x2;
	[sflag:s2] =	ssyncpa.u1 $0x1  }
0x3f: {  	[sflag:s31] =	ssyncpa.u1 $0x1  }
0x40: {  	p0 =	sne.s32 s0, $0x0;
	_ =	strace $0x9000004A  }
0x41: {  	s0 =	sadd.s32 @!p0 $0x100000, s1;
	[bflag:$0x2] =	sbarrier.arrive $0xFFFF  }
0x42: {  	[sflag:s0] =	ssyncadd.tile.s32 @!p0 $0x1;
	_ =	shalt  }
.Lfunc_end1:
_tile_overlayer_lowered:
.L_overlay_start_2:
0x43: {  	(tag) =	ssettag $0x2  }
0x44: {  	s0 =	rddreg [dreg:$0x0];
	s2 =	stileid.u32  }
0x45: {  	s1 =	rddreg [dreg:$0x1];
	p0 =	sne.s32 s2, $0x0  }
0x46: {  	s3 =	rddreg [dreg:$0x2];
	[bflag:$0x3] =	sbarrier.arrive $0xFFFF;
	s2 =	simm.s32 @!p0 $0x1C01  }
0x47: {  	[timem:s3], [sflag:s2] =	dma.local @!p0 [hbm:s0], s1  }
0x48: {  	s0 =	simm.s32 @!p0 $0x1  }
0x49: {  	_ =	swait.ge @!p0 [sflag:s0], s1  }
0x4a: {  	s1 =	ssub.s32 @!p0 $0x0, s1;
	[sflag:s0] =	ssyncset.done @!p0 $0x0  }
0x4b: {  	[sflag:s0] =	ssyncadd.s32 @!p0 s1  }
0x4c: {  	[bflag:$0x3] =	sbarrier.arrive $0xFFFF  }
0x4d: {  	_ =	shalt  }

</sc_bundles>
